<compile_context>
chip_gen: v7x
topology: tpu7x:2x2x1
jax: 0.10.2.dev20260603
libtpu: 0.0.44.dev20260713+nightly
codegen_flags: <defaults>
</compile_context>

<pallas_src>
import functools

import jax
import jax.numpy as jnp
from jax.experimental import pallas as pl
from jax.experimental.pallas import tpu as pltpu
from jax.experimental.pallas import tpu_sc as plsc

N_EMBD = 768
HIDDEN = 3072
N_EXPERTS = 8
TOP_K = 2
TOKENS = 2048

RB = 128
NASSIGN = TOP_K * TOKENS
NBLK = NASSIGN // RB + N_EXPERTS
NBLK_PAD = 64
NROWS = NBLK * RB
SC_W = 128
SC_CHUNK = 384


def _router_body(x_ref, wr_ref, br_ref, w01_ref, posk_ref, bexp_ref, nblk_ref):
    logits = jnp.dot(x_ref[...], wr_ref[...],
                     preferred_element_type=jnp.float32) + br_ref[...]
    col = jax.lax.broadcasted_iota(jnp.int32, logits.shape, 1)
    m1 = jnp.max(logits, axis=1, keepdims=True)
    e0 = jnp.min(jnp.where(logits >= m1, col, N_EXPERTS), axis=1, keepdims=True)
    sel0 = col == e0
    masked = jnp.where(sel0, -jnp.inf, logits)
    m2 = jnp.max(masked, axis=1, keepdims=True)
    e1 = jnp.min(jnp.where(masked >= m2, col, N_EXPERTS), axis=1, keepdims=True)
    sel1 = col == e1
    r = jnp.exp(m2 - m1)
    w0 = 1.0 / (1.0 + r)
    w01_ref[...] = jnp.concatenate([w0, 1.0 - w0], axis=1)

    oh0 = sel0.astype(jnp.bfloat16)
    oh1 = sel1.astype(jnp.bfloat16)
    oh = jnp.concatenate([oh0, oh1], axis=1)
    ri = jax.lax.broadcasted_iota(jnp.int32, (TOKENS, TOKENS), 0)
    ci = jax.lax.broadcasted_iota(jnp.int32, (TOKENS, TOKENS), 1)
    tri = (ri > ci).astype(jnp.bfloat16)
    csum = jnp.dot(tri, oh, preferred_element_type=jnp.float32)
    rank0 = jnp.sum(jnp.where(sel0, csum[:, :N_EXPERTS], 0.0), axis=1,
                    keepdims=True)
    rank1 = jnp.sum(jnp.where(sel1, csum[:, N_EXPERTS:], 0.0), axis=1,
                    keepdims=True)

    count0 = jnp.sum(oh0.astype(jnp.float32), axis=0, keepdims=True)
    count1 = jnp.sum(oh1.astype(jnp.float32), axis=0, keepdims=True)
    count = count0 + count1
    rank1 = rank1 + jnp.sum(jnp.where(sel1, count0, 0.0), axis=1,
                            keepdims=True)

    pblk = jnp.floor((count + 127.0) * (1.0 / 128.0))
    ui = jax.lax.broadcasted_iota(jnp.int32, (N_EXPERTS, N_EXPERTS), 0)
    uj = jax.lax.broadcasted_iota(jnp.int32, (N_EXPERTS, N_EXPERTS), 1)
    triu = (ui < uj).astype(jnp.bfloat16)
    pstart_blk = jnp.dot(pblk.astype(jnp.bfloat16), triu,
                         preferred_element_type=jnp.float32)
    pstart_rows = pstart_blk * float(RB)

    pos0 = jnp.sum(jnp.where(sel0, pstart_rows, 0.0), axis=1,
                   keepdims=True) + rank0
    pos1 = jnp.sum(jnp.where(sel1, pstart_rows, 0.0), axis=1,
                   keepdims=True) + rank1
    posk_ref[...] = jnp.concatenate([pos0, pos1], axis=1).astype(jnp.int32)

    bi = jax.lax.broadcasted_iota(jnp.int32, (NBLK_PAD, N_EXPERTS), 0)
    ge = bi >= jnp.broadcast_to(pstart_blk.astype(jnp.int32),
                                (NBLK_PAD, N_EXPERTS))
    bexp_ref[...] = jnp.sum(ge.astype(jnp.int32), axis=1, keepdims=True) - 1
    nblk_ref[...] = jnp.sum(pblk, axis=1, keepdims=True).astype(jnp.int32)


def _router(x, Wr, br):
    return pl.pallas_call(
        _router_body,
        out_shape=[
            jax.ShapeDtypeStruct((TOKENS, TOP_K), jnp.float32),
            jax.ShapeDtypeStruct((TOKENS, TOP_K), jnp.int32),
            jax.ShapeDtypeStruct((NBLK_PAD, 1), jnp.int32),
            jax.ShapeDtypeStruct((1, 1), jnp.int32),
        ],
    )(x, Wr, br.reshape(1, N_EXPERTS))


def _sc_scatter(x, pos_flat):
    mesh = plsc.VectorSubcoreMesh(core_axis_name="core",
                                  subcore_axis_name="subcore")

    @functools.partial(
        pl.kernel,
        out_type=jax.ShapeDtypeStruct((NROWS, N_EMBD), jnp.float32),
        mesh=mesh)
    def run(x_hbm, i_hbm, o_hbm):
        def body(idx, x_vmem, i_vmem):
            j = idx[1]
            pltpu.sync_copy(
                x_vmem,
                o_hbm.at[i_vmem.at[0], pl.ds(j * SC_CHUNK, SC_CHUNK)])

        pltpu.emit_pipeline(
            body,
            grid=(NASSIGN // SC_W, N_EMBD // SC_CHUNK),
            in_specs=[
                pl.BlockSpec((SC_W, SC_CHUNK),
                             index_map=lambda i, j: (i % (TOKENS // SC_W), j)),
                pl.BlockSpec((1, SC_W), index_map=lambda i, j: (0, i)),
            ],
            out_specs=[],
            core_axis_name=("core", "subcore"),
            dimension_semantics=(pltpu.PARALLEL, pltpu.PARALLEL),
            _explicit_indices=True,
        )(x_hbm, i_hbm)

    return run(x, pos_flat)


def _sc_gather(y, pos_flat):
    mesh = plsc.VectorSubcoreMesh(core_axis_name="core",
                                  subcore_axis_name="subcore")

    @functools.partial(
        pl.kernel,
        out_type=jax.ShapeDtypeStruct((NASSIGN, N_EMBD), jnp.float32),
        mesh=mesh)
    def run(y_hbm, i_hbm, o_hbm):
        def body(idx, i_vmem, o_vmem):
            j = idx[1]
            pltpu.sync_copy(
                y_hbm.at[i_vmem.at[0], pl.ds(j * SC_CHUNK, SC_CHUNK)],
                o_vmem)

        pltpu.emit_pipeline(
            body,
            grid=(NASSIGN // SC_W, N_EMBD // SC_CHUNK),
            in_specs=[pl.BlockSpec((1, SC_W), index_map=lambda i, j: (0, i))],
            out_specs=[pl.BlockSpec((SC_W, SC_CHUNK),
                                    index_map=lambda i, j: (i, j))],
            core_axis_name=("core", "subcore"),
            dimension_semantics=(pltpu.PARALLEL, pltpu.PARALLEL),
            _explicit_indices=True,
        )(i_hbm, o_hbm)

    return run(y, pos_flat)


def _ffn_body(bexp_ref, nblk_ref, buf_ref, w1_ref, b1_ref, w2_ref, b2_ref,
              y_ref):
    b = pl.program_id(0)

    @pl.when(b < nblk_ref[0])
    def _():
        h = jnp.dot(buf_ref[...].astype(jnp.bfloat16), w1_ref[0],
                    preferred_element_type=jnp.float32) + b1_ref[0]
        h = 0.5 * h * (1.0 + jax.lax.erf(h * 0.7071067811865476))
        y_ref[...] = jnp.dot(h.astype(jnp.bfloat16), w2_ref[0],
                             preferred_element_type=jnp.float32) + b2_ref[0]


def _grouped_ffn(buf, bexp, nblk, W1b, b1r, W2b, b2r):
    grid_spec = pltpu.PrefetchScalarGridSpec(
        num_scalar_prefetch=2,
        grid=(NBLK,),
        in_specs=[
            pl.BlockSpec((RB, N_EMBD), lambda b, se, nb: (b, 0)),
            pl.BlockSpec((1, N_EMBD, HIDDEN), lambda b, se, nb: (se[b], 0, 0)),
            pl.BlockSpec((1, 1, HIDDEN), lambda b, se, nb: (se[b], 0, 0)),
            pl.BlockSpec((1, HIDDEN, N_EMBD), lambda b, se, nb: (se[b], 0, 0)),
            pl.BlockSpec((1, 1, N_EMBD), lambda b, se, nb: (se[b], 0, 0)),
        ],
        out_specs=pl.BlockSpec((RB, N_EMBD), lambda b, se, nb: (b, 0)),
    )
    return pl.pallas_call(
        _ffn_body,
        grid_spec=grid_spec,
        out_shape=jax.ShapeDtypeStruct((NROWS, N_EMBD), jnp.float32),
    )(bexp, nblk, buf, W1b, b1r, W2b, b2r)


def _combine_body(g0_ref, g1_ref, w01_ref, out_ref):
    out_ref[...] = (w01_ref[:, 0:1] * g0_ref[...]
                    + w01_ref[:, 1:2] * g1_ref[...])


def _combine(g, w01):
    tb = 256
    return pl.pallas_call(
        _combine_body,
        grid=(TOKENS // tb,),
        in_specs=[
            pl.BlockSpec((tb, N_EMBD), lambda t: (t, 0)),
            pl.BlockSpec((tb, N_EMBD), lambda t: (t + TOKENS // tb, 0)),
            pl.BlockSpec((tb, TOP_K), lambda t: (t, 0)),
        ],
        out_specs=pl.BlockSpec((tb, N_EMBD), lambda t: (t, 0)),
        out_shape=jax.ShapeDtypeStruct((TOKENS, N_EMBD), jnp.float32),
    )(g, g, w01)


def kernel(x, Wr, br, W1, b1, W2, b2):
    w01, posk, bexp, nblk = _router(x, Wr, br)
    pos_flat = posk.T.reshape(1, NASSIGN)
    buf = _sc_scatter(x, pos_flat)
    y = _grouped_ffn(buf, bexp.reshape(NBLK_PAD), nblk.reshape(1),
                     W1.astype(jnp.bfloat16),
                     b1.reshape(N_EXPERTS, 1, HIDDEN),
                     W2.astype(jnp.bfloat16),
                     b2.reshape(N_EXPERTS, 1, N_EMBD))
    g = _sc_gather(y, pos_flat)
    return _combine(g, w01)

# --- scband reference (transcript-rebuilt; emitter-appended) ---
"""Pipeline reference for scband-mo-elayer-50697793962491 (READ-ONLY COPY).

The authoritative reference and input builder live on the scoring server;
editing this copy changes nothing except your own understanding.
"""

import jax, jax.numpy as jnp
import numpy as np

N_EMBD = 768
HIDDEN = 3072
N_EXPERTS = 8
TOP_K = 2
TOKENS = 2048


def setup_inputs(seed: int = 0) -> dict:
    key = jax.random.key(seed)
    ks = jax.random.split(key, 6)
    x = jax.random.normal(ks[0], (TOKENS, N_EMBD), dtype=jnp.float32)
    Wr = jax.random.normal(ks[1], (N_EMBD, N_EXPERTS), dtype=jnp.float32) * (1.0 / np.sqrt(N_EMBD))
    br = jnp.zeros((N_EXPERTS,), dtype=jnp.float32)
    W1 = jax.random.normal(ks[2], (N_EXPERTS, N_EMBD, HIDDEN), dtype=jnp.float32) * (1.0 / np.sqrt(N_EMBD))
    b1 = jnp.zeros((N_EXPERTS, HIDDEN), dtype=jnp.float32)
    W2 = jax.random.normal(ks[3], (N_EXPERTS, HIDDEN, N_EMBD), dtype=jnp.float32) * (1.0 / np.sqrt(HIDDEN))
    b2 = jnp.zeros((N_EXPERTS, N_EMBD), dtype=jnp.float32)
    return {"x": x, "Wr": Wr, "br": br, "W1": W1, "b1": b1, "W2": W2, "b2": b2}


def reference(x, Wr, br, W1, b1, W2, b2):
    # router
    router_logits = x @ Wr + br
    routing_weights = jax.nn.softmax(router_logits, axis=-1)
    topw, sel = jax.lax.top_k(routing_weights, TOP_K)
    topw = topw / jnp.sum(topw, axis=-1, keepdims=True)
    # expert FFNs computed densely over all tokens (faithful to the torch loop,
    # where every expert runs on the full x; dropout is identity in eval mode)
    h = jnp.einsum('td,edh->eth', x, W1) + b1[:, None, :]
    h = jax.nn.gelu(h, approximate=False)  # torch nn.GELU() default = exact erf
    expert_out = jnp.einsum('eth,ehd->etd', h, W2) + b2[:, None, :]
    final = jnp.zeros_like(x)
    for i in range(TOP_K):
        idx = sel[:, i]
        w = topw[:, i][:, None]
        for e in range(N_EXPERTS):
            mask = (idx == e)[:, None].astype(x.dtype)
            final = final + mask * w * expert_out[e]
    return final

if __name__ == "__main__":
    import jax
    _d = setup_inputs()
    print(jax.jit(kernel)(*tuple(_d.values())))

</pallas_src>

<mosaic_0001>
#map = affine_map<(d0, d1) -> (0, 0)>
module attributes {stable_mosaic.version = 14 : i64} {
  func.func @run(%arg0: i32, %arg1: i32, %arg2: memref<5120x768xf32, #tpu.memory_space<hbm>>, %arg3: memref<1x4096xi32, #tpu.memory_space<hbm>>, %arg4: memref<4096x768xf32, #tpu.memory_space<hbm>>) attributes {dimension_semantics = [#tpu.dimension_semantics<core_parallel>, #tpu.dimension_semantics<subcore_parallel>], iteration_bounds = array<i64: 2, 16>, scalar_prefetch = 0 : i64, scratch_operands = 0 : i64, tpu.core_type = #tpu.core_type<sc_vector_subcore>, window_params = [{transform_indices = #map}, {transform_indices = #map}, {transform_indices = #map}]} {
    %mul3A = arith.constant 1 : i32
    %mul3A_0 = arith.muli %arg1, %mul3A : i32
    %add3A = arith.constant 0 : i32
    %add3A_1 = arith.addi %add3A, %mul3A_0 : i32
    %mul3A_2 = arith.constant 16 : i32
    %mul3A_3 = arith.muli %arg0, %mul3A_2 : i32
    %add3A_4 = arith.addi %add3A_1, %mul3A_3 : i32
    %mul3A_5 = arith.constant 1 : i32
    %mul3A_6 = arith.muli %add3A_4, %mul3A_5 : i32
    "tpu.region"() ({
      %run_scoped3A = memref.alloca() : memref<2x1x128xi32, #tpu.memory_space<vmem>>
      %run_scoped3A_7 = tpu.sem_alloc : memref<2x!tpu.dma_semaphore, #tpu.memory_space<semaphore_mem>>
      %run_scoped3A_8 = memref.alloca() : memref<2x128x384xf32, #tpu.memory_space<vmem>>
      %run_scoped3A_9 = tpu.sem_alloc : memref<2x!tpu.dma_semaphore, #tpu.memory_space<semaphore_mem>>
      %add3A_10 = arith.constant 0 : i32
      %add3A_11 = arith.addi %add3A_10, %mul3A_6 : i32
      %select_n3A = arith.constant true
      %select_n3A_12 = arith.constant 0 : i32
      %select_n3A_13 = arith.constant -1 : i32
      %select_n3A_14 = arith.select %select_n3A, %select_n3A_13, %select_n3A_12 : i32
      %eq3A = arith.constant -1 : i32
      %eq3A_15 = arith.cmpi eq, %select_n3A_14, %eq3A : i32
      %select_n3A_16 = arith.constant 1 : i32
      %select_n3A_17 = arith.select %eq3A_15, %select_n3A_16, %select_n3A_14 : i32
      %select_n3A_18 = arith.constant 0 : i32
      %select_n3A_19 = arith.constant -1 : i32
      %select_n3A_20 = arith.select %eq3A_15, %select_n3A_19, %select_n3A_18 : i32
      %eq3A_21 = arith.constant -1 : i32
      %eq3A_22 = arith.cmpi eq, %select_n3A_20, %eq3A_21 : i32
      %select_n3A_23 = arith.constant 0 : i32
      %select_n3A_24 = arith.select %eq3A_22, %select_n3A_23, %select_n3A_20 : i32
      %add3A_25 = arith.constant 0 : i32
      %add3A_26 = arith.addi %add3A_25, %mul3A_6 : i32
      %add3A_27 = arith.constant 0 : i32
      %add3A_28 = arith.addi %select_n3A_17, %add3A_27 : i32
      %select_n3A_29 = arith.constant true
      %select_n3A_30 = arith.constant 0 : i32
      %select_n3A_31 = arith.constant 1 : i32
      %select_n3A_32 = arith.select %select_n3A_29, %select_n3A_31, %select_n3A_30 : i32
      %eq3A_33 = arith.constant 2 : i32
      %eq3A_34 = arith.cmpi eq, %select_n3A_32, %eq3A_33 : i32
      %select_n3A_35 = arith.constant 0 : i32
      %select_n3A_36 = arith.select %eq3A_34, %select_n3A_35, %select_n3A_32 : i32
      %select_n3A_37 = arith.constant 0 : i32
      %select_n3A_38 = arith.constant 1 : i32
      %select_n3A_39 = arith.select %eq3A_34, %select_n3A_38, %select_n3A_37 : i32
      %eq3A_40 = arith.constant 1 : i32
      %eq3A_41 = arith.cmpi eq, %select_n3A_39, %eq3A_40 : i32
      %select_n3A_42 = arith.constant 0 : i32
      %select_n3A_43 = arith.select %eq3A_41, %select_n3A_42, %select_n3A_39 : i32
      %add3A_44 = arith.constant 0 : i32
      %add3A_45 = arith.addi %add3A_44, %mul3A_6 : i32
      %add3A_46 = arith.constant 0 : i32
      %add3A_47 = arith.addi %select_n3A_36, %add3A_46 : i32
      %add3A_48 = arith.constant 1 : i32
      %add3A_49 = arith.addi %select_n3A_36, %add3A_48 : i32
      %select_n3A_50 = arith.constant true
      %select_n3A_51 = arith.select %select_n3A_50, %add3A_49, %select_n3A_36 : i32
      %eq3A_52 = arith.constant 2 : i32
      %eq3A_53 = arith.cmpi eq, %select_n3A_51, %eq3A_52 : i32
      %select_n3A_54 = arith.constant 0 : i32
      %select_n3A_55 = arith.select %eq3A_53, %select_n3A_54, %select_n3A_51 : i32
      %select_n3A_56 = arith.constant 0 : i32
      %select_n3A_57 = arith.constant 1 : i32
      %select_n3A_58 = arith.select %eq3A_53, %select_n3A_57, %select_n3A_56 : i32
      %eq3A_59 = arith.constant 1 : i32
      %eq3A_60 = arith.cmpi eq, %select_n3A_58, %eq3A_59 : i32
      %select_n3A_61 = arith.constant 0 : i32
      %select_n3A_62 = arith.select %eq3A_60, %select_n3A_61, %select_n3A_58 : i32
      %add3A_63 = arith.constant 0 : i32
      %add3A_64 = arith.addi %add3A_63, %mul3A_6 : i32
      %add3A_65 = arith.constant 0 : i32
      %add3A_66 = arith.addi %select_n3A_55, %add3A_65 : i32
      "tpu.trace_start"() <{level = 10 : i32, message = "ep_initialize_0"}> : () -> ()
      %rem3A = arith.constant 0 : i32
      %rem3A_67 = arith.constant 2 : i32
      %rem3A_68 = arith.remui %rem3A, %rem3A_67 : i32
      %mul3A_69 = arith.constant 128 : i32
      %mul3A_70 = arith.muli %mul3A_69, %add3A_11 : i32
      %dma_start3A = arith.constant 0 : i32
      %dma_start3A_71 = arith.constant 0 : i32
      %dma_start3A_72 = tpu.memref_slice %run_scoped3A[%rem3A_68, %dma_start3A, %dma_start3A_71] : memref<2x1x128xi32, #tpu.memory_space<vmem>> -> memref<1x1x128xi32, #tpu.memory_space<vmem>>
      %dma_start3A_73 = tpu.memref_squeeze %dma_start3A_72 : memref<1x1x128xi32, #tpu.memory_space<vmem>> -> memref<1x128xi32, #tpu.memory_space<vmem>>
      %dma_start3A_74 = arith.constant 0 : i32
      %dma_start3A_75 = tpu.memref_slice %arg3[%dma_start3A_74, %mul3A_70] : memref<1x4096xi32, #tpu.memory_space<hbm>> -> memref<1x128xi32, #tpu.memory_space<hbm>>
      %dma_start3A_76 = tpu.memref_slice %run_scoped3A_7[%rem3A_68] : memref<2x!tpu.dma_semaphore, #tpu.memory_space<semaphore_mem>> -> memref<1x!tpu.dma_semaphore, #tpu.memory_space<semaphore_mem>>
      %dma_start3A_77 = tpu.memref_squeeze %dma_start3A_76 : memref<1x!tpu.dma_semaphore, #tpu.memory_space<semaphore_mem>> -> memref<!tpu.dma_semaphore, #tpu.memory_space<semaphore_mem>>
      %dma_start3A_78 = arith.constant 0 : i32
      %dma_start3A_79 = arith.constant 0 : i32
      %dma_start3A_80 = tpu.memref_slice %run_scoped3A[%rem3A_68, %dma_start3A_78, %dma_start3A_79] : memref<2x1x128xi32, #tpu.memory_space<vmem>> -> memref<1x1x128xi32, #tpu.memory_space<vmem>>
      %dma_start3A_81 = tpu.memref_squeeze %dma_start3A_80 : memref<1x1x128xi32, #tpu.memory_space<vmem>> -> memref<1x128xi32, #tpu.memory_space<vmem>>
      %dma_start3A_82 = arith.constant 0 : i32
      %dma_start3A_83 = tpu.memref_slice %arg3[%dma_start3A_82, %mul3A_70] : memref<1x4096xi32, #tpu.memory_space<hbm>> -> memref<1x128xi32, #tpu.memory_space<hbm>>
      tpu.enqueue_dma source(%dma_start3A_83 : memref<1x128xi32, #tpu.memory_space<hbm>>) target(%dma_start3A_81 : memref<1x128xi32, #tpu.memory_space<vmem>>) target_semaphore(%dma_start3A_77 : memref<!tpu.dma_semaphore, #tpu.memory_space<semaphore_mem>>)
      %add3A_84 = arith.constant 0 : i32
      %add3A_85 = arith.constant 1 : i32
      %add3A_86 = arith.addi %add3A_84, %add3A_85 : i32
      %select_n3A_87 = arith.constant true
      %select_n3A_88 = arith.constant 0 : i32
      %select_n3A_89 = arith.select %select_n3A_87, %add3A_86, %select_n3A_88 : i32
      "tpu.trace_stop"() : () -> ()
      %scan3A = arith.constant 0 : i32
      %scan3A_90 = arith.constant 0 : i32
      %scan3A_91 = arith.constant 0 : i32
      %scan3A_92 = arith.constant 0 : i32
      %scan3A_93 = arith.constant 0 : i32
      %scan3A_94 = arith.constant 0 : i32
      %scan3A_95 = arith.constant 2 : i32
      %scan3A_96 = arith.addi %scan3A_94, %scan3A_95 : i32
      %scan3A_97 = arith.constant 1 : i32
      %scan3A_98:6 = scf.for %scan3A_192 = %scan3A_94 to %scan3A_96 step %scan3A_97 iter_args(%scan3A_193 = %select_n3A_89, %scan3A_194 = %scan3A, %scan3A_195 = %scan3A_90, %scan3A_196 = %scan3A_91, %scan3A_197 = %scan3A_92, %scan3A_198 = %scan3A_93) -> (i32, i32, i32, i32, i32, i32)  : i32 {
        %eq3A_199 = arith.constant 0 : i32
        %eq3A_200 = arith.cmpi eq, %scan3A_192, %eq3A_199 : i32
        %eq3A_201 = arith.constant 1 : i32
        %eq3A_202 = arith.cmpi eq, %scan3A_192, %eq3A_201 : i32
        %add3A_203 = arith.constant 0 : i32
        %add3A_204 = arith.addi %add3A_203, %mul3A_6 : i32
        %add3A_205 = arith.constant 0 : i32
        %add3A_206 = arith.addi %scan3A_198, %add3A_205 : i32
        %sub3A_207 = arith.constant 1 : i32
        %sub3A_208 = arith.subi %scan3A_198, %sub3A_207 : i32
        %select_n3A_209 = arith.constant true
        %select_n3A_210 = arith.select %select_n3A_209, %sub3A_208, %scan3A_198 : i32
        %eq3A_211 = arith.constant -1 : i32
        %eq3A_212 = arith.cmpi eq, %select_n3A_210, %eq3A_211 : i32
        %select_n3A_213 = arith.constant 1 : i32
        %select_n3A_214 = arith.select %eq3A_212, %select_n3A_213, %select_n3A_210 : i32
        %select_n3A_215 = arith.constant 0 : i32
        %select_n3A_216 = arith.constant -1 : i32
        %select_n3A_217 = arith.select %eq3A_212, %select_n3A_216, %select_n3A_215 : i32
        %eq3A_218 = arith.constant -1 : i32
        %eq3A_219 = arith.cmpi eq, %select_n3A_217, %eq3A_218 : i32
        %select_n3A_220 = arith.constant 0 : i32
        %select_n3A_221 = arith.select %eq3A_219, %select_n3A_220, %select_n3A_217 : i32
        %add3A_222 = arith.constant 0 : i32
        %add3A_223 = arith.addi %add3A_222, %mul3A_6 : i32
        %add3A_224 = arith.constant 0 : i32
        %add3A_225 = arith.addi %select_n3A_214, %add3A_224 : i32
        %add3A_226 = arith.constant 1 : i32
        %add3A_227 = arith.addi %scan3A_198, %add3A_226 : i32
        %select_n3A_228 = arith.constant true
        %select_n3A_229 = arith.select %select_n3A_228, %add3A_227, %scan3A_198 : i32
        %eq3A_230 = arith.constant 2 : i32
        %eq3A_231 = arith.cmpi eq, %select_n3A_229, %eq3A_230 : i32
        %select_n3A_232 = arith.constant 0 : i32
        %select_n3A_233 = arith.select %eq3A_231, %select_n3A_232, %select_n3A_229 : i32
        %select_n3A_234 = arith.constant 0 : i32
        %select_n3A_235 = arith.constant 1 : i32
        %select_n3A_236 = arith.select %eq3A_231, %select_n3A_235, %select_n3A_234 : i32
        %eq3A_237 = arith.constant 1 : i32
        %eq3A_238 = arith.cmpi eq, %select_n3A_236, %eq3A_237 : i32
        %select_n3A_239 = arith.constant 0 : i32
        %select_n3A_240 = arith.select %eq3A_238, %select_n3A_239, %select_n3A_236 : i32
        %add3A_241 = arith.constant 0 : i32
        %add3A_242 = arith.addi %add3A_241, %mul3A_6 : i32
        %add3A_243 = arith.constant 0 : i32
        %add3A_244 = arith.addi %select_n3A_233, %add3A_243 : i32
        %add3A_245 = arith.constant 1 : i32
        %add3A_246 = arith.addi %select_n3A_233, %add3A_245 : i32
        %select_n3A_247 = arith.constant true
        %select_n3A_248 = arith.select %select_n3A_247, %add3A_246, %select_n3A_233 : i32
        %eq3A_249 = arith.constant 2 : i32
        %eq3A_250 = arith.cmpi eq, %select_n3A_248, %eq3A_249 : i32
        %select_n3A_251 = arith.constant 0 : i32
        %select_n3A_252 = arith.select %eq3A_250, %select_n3A_251, %select_n3A_248 : i32
        %select_n3A_253 = arith.constant 0 : i32
        %select_n3A_254 = arith.constant 1 : i32
        %select_n3A_255 = arith.select %eq3A_250, %select_n3A_254, %select_n3A_253 : i32
        %eq3A_256 = arith.constant 1 : i32
        %eq3A_257 = arith.cmpi eq, %select_n3A_255, %eq3A_256 : i32
        %select_n3A_258 = arith.constant 0 : i32
        %select_n3A_259 = arith.select %eq3A_257, %select_n3A_258, %select_n3A_255 : i32
        %add3A_260 = arith.constant 0 : i32
        %add3A_261 = arith.addi %add3A_260, %mul3A_6 : i32
        %add3A_262 = arith.constant 0 : i32
        %add3A_263 = arith.addi %select_n3A_252, %add3A_262 : i32
        %ne3A = arith.cmpi ne, %add3A_204, %add3A_242 : i32
        %or3A = arith.constant false
        %or3A_264 = arith.ori %or3A, %ne3A : i1
        %ge3A = arith.constant 1 : i32
        %ge3A_265 = arith.cmpi sge, %scan3A_192, %ge3A : i32
        %not3A = arith.constant true
        %not3A_266 = arith.xori %ge3A_265, %not3A : i1
        %and3A = arith.andi %or3A_264, %not3A_266 : i1
        %convert_element_type3A = arith.extui %and3A : i1 to i32
        %cond3A = arith.constant 0 : i32
        %cond3A_267 = arith.cmpi ne, %convert_element_type3A, %cond3A : i32
        scf.if %cond3A_267 {
          "tpu.trace_start"() <{level = 10 : i32, message = "ep_copy_in"}> : () -> ()
          %rem3A_379 = arith.constant 2 : i32
          %rem3A_380 = arith.remui %scan3A_193, %rem3A_379 : i32
          %mul3A_381 = arith.constant 128 : i32
          %mul3A_382 = arith.muli %mul3A_381, %add3A_242 : i32
          %dma_start3A_383 = arith.constant 0 : i32
          %dma_start3A_384 = arith.constant 0 : i32
          %dma_start3A_385 = tpu.memref_slice %run_scoped3A[%rem3A_380, %dma_start3A_383, %dma_start3A_384] : memref<2x1x128xi32, #tpu.memory_space<vmem>> -> memref<1x1x128xi32, #tpu.memory_space<vmem>>
          %dma_start3A_386 = tpu.memref_squeeze %dma_start3A_385 : memref<1x1x128xi32, #tpu.memory_space<vmem>> -> memref<1x128xi32, #tpu.memory_space<vmem>>
          %dma_start3A_387 = arith.constant 0 : i32
          %dma_start3A_388 = tpu.memref_slice %arg3[%dma_start3A_387, %mul3A_382] : memref<1x4096xi32, #tpu.memory_space<hbm>> -> memref<1x128xi32, #tpu.memory_space<hbm>>
          %dma_start3A_389 = tpu.memref_slice %run_scoped3A_7[%rem3A_380] : memref<2x!tpu.dma_semaphore, #tpu.memory_space<semaphore_mem>> -> memref<1x!tpu.dma_semaphore, #tpu.memory_space<semaphore_mem>>
          %dma_start3A_390 = tpu.memref_squeeze %dma_start3A_389 : memref<1x!tpu.dma_semaphore, #tpu.memory_space<semaphore_mem>> -> memref<!tpu.dma_semaphore, #tpu.memory_space<semaphore_mem>>
          %dma_start3A_391 = arith.constant 0 : i32
          %dma_start3A_392 = arith.constant 0 : i32
          %dma_start3A_393 = tpu.memref_slice %run_scoped3A[%rem3A_380, %dma_start3A_391, %dma_start3A_392] : memref<2x1x128xi32, #tpu.memory_space<vmem>> -> memref<1x1x128xi32, #tpu.memory_space<vmem>>
          %dma_start3A_394 = tpu.memref_squeeze %dma_start3A_393 : memref<1x1x128xi32, #tpu.memory_space<vmem>> -> memref<1x128xi32, #tpu.memory_space<vmem>>
          %dma_start3A_395 = arith.constant 0 : i32
          %dma_start3A_396 = tpu.memref_slice %arg3[%dma_start3A_395, %mul3A_382] : memref<1x4096xi32, #tpu.memory_space<hbm>> -> memref<1x128xi32, #tpu.memory_space<hbm>>
          tpu.enqueue_dma source(%dma_start3A_396 : memref<1x128xi32, #tpu.memory_space<hbm>>) target(%dma_start3A_394 : memref<1x128xi32, #tpu.memory_space<vmem>>) target_semaphore(%dma_start3A_390 : memref<!tpu.dma_semaphore, #tpu.memory_space<semaphore_mem>>)
          "tpu.trace_stop"() : () -> ()
        } else {
        }
        %and3A_268 = arith.constant true
        %and3A_269 = arith.andi %and3A, %and3A_268 : i1
        %add3A_270 = arith.constant 1 : i32
        %add3A_271 = arith.addi %scan3A_193, %add3A_270 : i32
        %select_n3A_272 = arith.select %and3A_269, %add3A_271, %scan3A_193 : i32
        %ne3A_273 = arith.cmpi ne, %add3A_204, %add3A_242 : i32
        %ne3A_274 = arith.cmpi ne, %add3A_206, %add3A_244 : i32
        %or3A_275 = arith.constant false
        %or3A_276 = arith.ori %or3A_275, %ne3A_273 : i1
        %or3A_277 = arith.ori %or3A_276, %ne3A_274 : i1
        %ge3A_278 = arith.constant 1 : i32
        %ge3A_279 = arith.cmpi sge, %scan3A_192, %ge3A_278 : i32
        %not3A_280 = arith.constant true
        %not3A_281 = arith.xori %ge3A_279, %not3A_280 : i1
        %and3A_282 = arith.andi %or3A_277, %not3A_281 : i1
        %ne3A_283 = arith.cmpi ne, %add3A_204, %add3A_223 : i32
        %or3A_284 = arith.constant false
        %or3A_285 = arith.ori %or3A_284, %ne3A_283 : i1
        %or3A_286 = arith.ori %or3A_285, %eq3A_200 : i1
        %convert_element_type3A_287 = arith.extui %or3A_286 : i1 to i32
        %cond3A_288 = arith.constant 0 : i32
        %cond3A_289 = arith.cmpi ne, %convert_element_type3A_287, %cond3A_288 : i32
        scf.if %cond3A_289 {
          "tpu.trace_start"() <{level = 10 : i32, message = "ep_wait_in"}> : () -> ()
          %mul3A_379 = arith.constant 128 : i32
          %mul3A_380 = arith.muli %mul3A_379, %add3A_204 : i32
          %rem3A_381 = arith.constant 2 : i32
          %rem3A_382 = arith.remui %scan3A_194, %rem3A_381 : i32
          %dma_wait3A_383 = arith.constant 0 : i32
          %dma_wait3A_384 = arith.constant 0 : i32
          %dma_wait3A_385 = tpu.memref_slice %run_scoped3A[%rem3A_382, %dma_wait3A_383, %dma_wait3A_384] : memref<2x1x128xi32, #tpu.memory_space<vmem>> -> memref<1x1x128xi32, #tpu.memory_space<vmem>>
          %dma_wait3A_386 = tpu.memref_squeeze %dma_wait3A_385 : memref<1x1x128xi32, #tpu.memory_space<vmem>> -> memref<1x128xi32, #tpu.memory_space<vmem>>
          %dma_wait3A_387 = arith.constant 0 : i32
          %dma_wait3A_388 = tpu.memref_slice %arg3[%dma_wait3A_387, %mul3A_380] : memref<1x4096xi32, #tpu.memory_space<hbm>> -> memref<1x128xi32, #tpu.memory_space<hbm>>
          %dma_wait3A_389 = tpu.memref_slice %run_scoped3A_7[%rem3A_382] : memref<2x!tpu.dma_semaphore, #tpu.memory_space<semaphore_mem>> -> memref<1x!tpu.dma_semaphore, #tpu.memory_space<semaphore_mem>>
          %dma_wait3A_390 = tpu.memref_squeeze %dma_wait3A_389 : memref<1x!tpu.dma_semaphore, #tpu.memory_space<semaphore_mem>> -> memref<!tpu.dma_semaphore, #tpu.memory_space<semaphore_mem>>
          %dma_wait3A_391 = arith.constant 0 : i32
          %dma_wait3A_392 = arith.constant 0 : i32
          %dma_wait3A_393 = tpu.memref_slice %run_scoped3A[%rem3A_382, %dma_wait3A_391, %dma_wait3A_392] : memref<2x1x128xi32, #tpu.memory_space<vmem>> -> memref<1x1x128xi32, #tpu.memory_space<vmem>>
          %dma_wait3A_394 = tpu.memref_squeeze %dma_wait3A_393 : memref<1x1x128xi32, #tpu.memory_space<vmem>> -> memref<1x128xi32, #tpu.memory_space<vmem>>
          %dma_wait3A_395 = arith.constant 0 : i32
          %dma_wait3A_396 = tpu.memref_slice %arg3[%dma_wait3A_395, %mul3A_380] : memref<1x4096xi32, #tpu.memory_space<hbm>> -> memref<1x128xi32, #tpu.memory_space<hbm>>
          tpu.wait_dma2 semaphore(%dma_wait3A_390 : memref<!tpu.dma_semaphore, #tpu.memory_space<semaphore_mem>>) src(%dma_wait3A_396 : memref<1x128xi32, #tpu.memory_space<hbm>>) dst(%dma_wait3A_394 : memref<1x128xi32, #tpu.memory_space<vmem>>)
          "tpu.trace_stop"() : () -> ()
        } else {
        }
        %ne3A_290 = arith.cmpi ne, %add3A_204, %add3A_223 : i32
        %ne3A_291 = arith.cmpi ne, %add3A_206, %add3A_225 : i32
        %or3A_292 = arith.constant false
        %or3A_293 = arith.ori %or3A_292, %ne3A_290 : i1
        %or3A_294 = arith.ori %or3A_293, %ne3A_291 : i1
        %or3A_295 = arith.ori %or3A_294, %eq3A_200 : i1
        %convert_element_type3A_296 = arith.extui %or3A_295 : i1 to i32
        %cond3A_297 = arith.constant 0 : i32
        %cond3A_298 = arith.cmpi ne, %convert_element_type3A_296, %cond3A_297 : i32
        scf.if %cond3A_298 {
        } else {
        }
        %rem3A_299 = arith.constant 2 : i32
        %rem3A_300 = arith.remui %scan3A_194, %rem3A_299 : i32
        %rem3A_301 = arith.constant 2 : i32
        %rem3A_302 = arith.remui %scan3A_195, %rem3A_301 : i32
        "tpu.trace_start"() <{level = 10 : i32, message = "ep_run_kernel"}> : () -> ()
        %mul3A_303 = arith.constant 384 : i32
        %mul3A_304 = arith.muli %add3A_206, %mul3A_303 : i32
        %run_scoped3A_305 = arith.constant 0 : i32
        "tpu.region"() ({
          %run_scoped3A_379 = tpu.sem_alloc : memref<!tpu.dma_semaphore, #tpu.memory_space<semaphore_mem>>
          %dma_start3A_380 = arith.constant 0 : i32
          %dma_start3A_381 = arith.constant 0 : i32
          %dma_start3A_382 = tpu.memref_slice %run_scoped3A_8[%rem3A_302, %dma_start3A_380, %dma_start3A_381] : memref<2x128x384xf32, #tpu.memory_space<vmem>> -> memref<1x128x384xf32, #tpu.memory_space<vmem>>
          %dma_start3A_383 = tpu.memref_squeeze %dma_start3A_382 : memref<1x128x384xf32, #tpu.memory_space<vmem>> -> memref<128x384xf32, #tpu.memory_space<vmem>>
          %dma_start3A_384 = arith.constant 0 : i32
          %dma_start3A_385 = arith.constant 0 : i32
          %dma_start3A_386 = tpu.memref_slice %run_scoped3A[%rem3A_300, %dma_start3A_384, %dma_start3A_385] : memref<2x1x128xi32, #tpu.memory_space<vmem>> -> memref<1x1x128xi32, #tpu.memory_space<vmem>>
          %dma_start3A_387 = tpu.memref_squeeze %dma_start3A_386 : memref<1x1x128xi32, #tpu.memory_space<vmem>> -> memref<1x128xi32, #tpu.memory_space<vmem>>
          %dma_start3A_388 = arith.constant 0 : i32
          %dma_start3A_389 = tpu.memref_slice %dma_start3A_387[%run_scoped3A_305, %dma_start3A_388] : memref<1x128xi32, #tpu.memory_space<vmem>> -> memref<1x128xi32, #tpu.memory_space<vmem>>
          %dma_start3A_390 = tpu.memref_squeeze %dma_start3A_389 : memref<1x128xi32, #tpu.memory_space<vmem>> -> memref<128xi32, #tpu.memory_space<vmem>>
          %dma_start3A_391 = arith.constant 0 : i32
          %dma_start3A_392 = tpu.memref_slice %arg2[%dma_start3A_391, %mul3A_304] : memref<5120x768xf32, #tpu.memory_space<hbm>> -> memref<5120x384xf32, #tpu.memory_space<hbm>>
          tpu.enqueue_indirect_dma source(%dma_start3A_392 : memref<5120x384xf32, #tpu.memory_space<hbm>>) target(%dma_start3A_383 : memref<128x384xf32, #tpu.memory_space<vmem>>) offsets(%dma_start3A_390 : memref<128xi32, #tpu.memory_space<vmem>>) semaphore(%run_scoped3A_379 : memref<!tpu.dma_semaphore, #tpu.memory_space<semaphore_mem>>)
          %dma_wait3A_393 = arith.constant 0 : i32
          %dma_wait3A_394 = arith.constant 0 : i32
          %dma_wait3A_395 = tpu.memref_slice %run_scoped3A_8[%rem3A_302, %dma_wait3A_393, %dma_wait3A_394] : memref<2x128x384xf32, #tpu.memory_space<vmem>> -> memref<1x128x384xf32, #tpu.memory_space<vmem>>
          %dma_wait3A_396 = tpu.memref_squeeze %dma_wait3A_395 : memref<1x128x384xf32, #tpu.memory_space<vmem>> -> memref<128x384xf32, #tpu.memory_space<vmem>>
          %dma_wait3A_397 = arith.constant 0 : i32
          %dma_wait3A_398 = arith.constant 0 : i32
          %dma_wait3A_399 = tpu.memref_slice %run_scoped3A[%rem3A_300, %dma_wait3A_397, %dma_wait3A_398] : memref<2x1x128xi32, #tpu.memory_space<vmem>> -> memref<1x1x128xi32, #tpu.memory_space<vmem>>
          %dma_wait3A_400 = tpu.memref_squeeze %dma_wait3A_399 : memref<1x1x128xi32, #tpu.memory_space<vmem>> -> memref<1x128xi32, #tpu.memory_space<vmem>>
          %dma_wait3A_401 = arith.constant 0 : i32
          %dma_wait3A_402 = tpu.memref_slice %dma_wait3A_400[%run_scoped3A_305, %dma_wait3A_401] : memref<1x128xi32, #tpu.memory_space<vmem>> -> memref<1x128xi32, #tpu.memory_space<vmem>>
          %dma_wait3A_403 = tpu.memref_squeeze %dma_wait3A_402 : memref<1x128xi32, #tpu.memory_space<vmem>> -> memref<128xi32, #tpu.memory_space<vmem>>
          %dma_wait3A_404 = arith.constant 0 : i32
          %dma_wait3A_405 = tpu.memref_slice %arg2[%dma_wait3A_404, %mul3A_304] : memref<5120x768xf32, #tpu.memory_space<hbm>> -> memref<5120x384xf32, #tpu.memory_space<hbm>>
          tpu.wait_indirect_dma semaphore(%run_scoped3A_379 : memref<!tpu.dma_semaphore, #tpu.memory_space<semaphore_mem>>) src(%dma_wait3A_405 : memref<5120x384xf32, #tpu.memory_space<hbm>>) dst(%dma_wait3A_396 : memref<128x384xf32, #tpu.memory_space<vmem>>)
          tpu.yield
        }) : () -> ()
        "tpu.trace_stop"() : () -> ()
        %ne3A_306 = arith.cmpi ne, %add3A_204, %add3A_242 : i32
        %or3A_307 = arith.constant false
        %or3A_308 = arith.ori %or3A_307, %ne3A_306 : i1
        %or3A_309 = arith.ori %or3A_308, %eq3A_202 : i1
        %convert_element_type3A_310 = arith.extui %or3A_309 : i1 to i32
        %cond3A_311 = arith.constant 0 : i32
        %cond3A_312 = arith.cmpi ne, %convert_element_type3A_310, %cond3A_311 : i32
        scf.if %cond3A_312 {
        } else {
        }
        %and3A_313 = arith.constant false
        %and3A_314 = arith.andi %or3A_309, %and3A_313 : i1
        %ne3A_315 = arith.cmpi ne, %add3A_204, %add3A_242 : i32
        %ne3A_316 = arith.cmpi ne, %add3A_206, %add3A_244 : i32
        %or3A_317 = arith.constant false
        %or3A_318 = arith.ori %or3A_317, %ne3A_315 : i1
        %or3A_319 = arith.ori %or3A_318, %ne3A_316 : i1
        %or3A_320 = arith.ori %or3A_319, %eq3A_202 : i1
        %convert_element_type3A_321 = arith.extui %or3A_320 : i1 to i32
        %cond3A_322 = arith.constant 0 : i32
        %cond3A_323 = arith.cmpi ne, %convert_element_type3A_321, %cond3A_322 : i32
        scf.if %cond3A_323 {
          "tpu.trace_start"() <{level = 10 : i32, message = "ep_copy_out"}> : () -> ()
          %rem3A_379 = arith.constant 2 : i32
          %rem3A_380 = arith.remui %scan3A_195, %rem3A_379 : i32
          %mul3A_381 = arith.constant 128 : i32
          %mul3A_382 = arith.muli %mul3A_381, %add3A_204 : i32
          %mul3A_383 = arith.constant 384 : i32
          %mul3A_384 = arith.muli %mul3A_383, %add3A_206 : i32
          %dma_start3A_385 = arith.constant 0 : i32
          %dma_start3A_386 = arith.constant 0 : i32
          %dma_start3A_387 = tpu.memref_slice %run_scoped3A_8[%rem3A_380, %dma_start3A_385, %dma_start3A_386] : memref<2x128x384xf32, #tpu.memory_space<vmem>> -> memref<1x128x384xf32, #tpu.memory_space<vmem>>
          %dma_start3A_388 = tpu.memref_squeeze %dma_start3A_387 : memref<1x128x384xf32, #tpu.memory_space<vmem>> -> memref<128x384xf32, #tpu.memory_space<vmem>>
          %dma_start3A_389 = tpu.memref_slice %arg4[%mul3A_382, %mul3A_384] : memref<4096x768xf32, #tpu.memory_space<hbm>> -> memref<128x384xf32, #tpu.memory_space<hbm>>
          %dma_start3A_390 = tpu.memref_slice %run_scoped3A_9[%rem3A_380] : memref<2x!tpu.dma_semaphore, #tpu.memory_space<semaphore_mem>> -> memref<1x!tpu.dma_semaphore, #tpu.memory_space<semaphore_mem>>
          %dma_start3A_391 = tpu.memref_squeeze %dma_start3A_390 : memref<1x!tpu.dma_semaphore, #tpu.memory_space<semaphore_mem>> -> memref<!tpu.dma_semaphore, #tpu.memory_space<semaphore_mem>>
          %dma_start3A_392 = tpu.memref_slice %arg4[%mul3A_382, %mul3A_384] : memref<4096x768xf32, #tpu.memory_space<hbm>> -> memref<128x384xf32, #tpu.memory_space<hbm>>
          %dma_start3A_393 = arith.constant 0 : i32
          %dma_start3A_394 = arith.constant 0 : i32
          %dma_start3A_395 = tpu.memref_slice %run_scoped3A_8[%rem3A_380, %dma_start3A_393, %dma_start3A_394] : memref<2x128x384xf32, #tpu.memory_space<vmem>> -> memref<1x128x384xf32, #tpu.memory_space<vmem>>
          %dma_start3A_396 = tpu.memref_squeeze %dma_start3A_395 : memref<1x128x384xf32, #tpu.memory_space<vmem>> -> memref<128x384xf32, #tpu.memory_space<vmem>>
          tpu.enqueue_dma source(%dma_start3A_396 : memref<128x384xf32, #tpu.memory_space<vmem>>) target(%dma_start3A_392 : memref<128x384xf32, #tpu.memory_space<hbm>>) target_semaphore(%dma_start3A_391 : memref<!tpu.dma_semaphore, #tpu.memory_space<semaphore_mem>>)
          "tpu.trace_stop"() : () -> ()
        } else {
        }
        %and3A_324 = arith.constant true
        %and3A_325 = arith.andi %or3A_320, %and3A_324 : i1
        %add3A_326 = arith.constant 1 : i32
        %add3A_327 = arith.addi %scan3A_195, %add3A_326 : i32
        %select_n3A_328 = arith.select %and3A_325, %add3A_327, %scan3A_195 : i32
        %ne3A_329 = arith.cmpi ne, %add3A_204, %add3A_223 : i32
        %or3A_330 = arith.constant false
        %or3A_331 = arith.ori %or3A_330, %ne3A_329 : i1
        %not3A_332 = arith.constant true
        %not3A_333 = arith.xori %eq3A_200, %not3A_332 : i1
        %and3A_334 = arith.andi %or3A_331, %not3A_333 : i1
        %convert_element_type3A_335 = arith.extui %and3A_334 : i1 to i32
        %cond3A_336 = arith.constant 0 : i32
        %cond3A_337 = arith.cmpi ne, %convert_element_type3A_335, %cond3A_336 : i32
        scf.if %cond3A_337 {
        } else {
        }
        %and3A_338 = arith.constant false
        %and3A_339 = arith.andi %and3A_334, %and3A_338 : i1
        %ne3A_340 = arith.cmpi ne, %add3A_204, %add3A_223 : i32
        %ne3A_341 = arith.cmpi ne, %add3A_206, %add3A_225 : i32
        %or3A_342 = arith.constant false
        %or3A_343 = arith.ori %or3A_342, %ne3A_340 : i1
        %or3A_344 = arith.ori %or3A_343, %ne3A_341 : i1
        %not3A_345 = arith.constant true
        %not3A_346 = arith.xori %eq3A_200, %not3A_345 : i1
        %and3A_347 = arith.andi %or3A_344, %not3A_346 : i1
        %convert_element_type3A_348 = arith.extui %and3A_347 : i1 to i32
        %cond3A_349 = arith.constant 0 : i32
        %cond3A_350 = arith.cmpi ne, %convert_element_type3A_348, %cond3A_349 : i32
        scf.if %cond3A_350 {
          "tpu.trace_start"() <{level = 10 : i32, message = "ep_wait_out"}> : () -> ()
          %rem3A_379 = arith.constant 2 : i32
          %rem3A_380 = arith.remui %scan3A_196, %rem3A_379 : i32
          %mul3A_381 = arith.constant 128 : i32
          %mul3A_382 = arith.muli %mul3A_381, %add3A_223 : i32
          %mul3A_383 = arith.constant 384 : i32
          %mul3A_384 = arith.muli %mul3A_383, %add3A_225 : i32
          %dma_wait3A_385 = arith.constant 0 : i32
          %dma_wait3A_386 = arith.constant 0 : i32
          %dma_wait3A_387 = tpu.memref_slice %run_scoped3A_8[%rem3A_380, %dma_wait3A_385, %dma_wait3A_386] : memref<2x128x384xf32, #tpu.memory_space<vmem>> -> memref<1x128x384xf32, #tpu.memory_space<vmem>>
          %dma_wait3A_388 = tpu.memref_squeeze %dma_wait3A_387 : memref<1x128x384xf32, #tpu.memory_space<vmem>> -> memref<128x384xf32, #tpu.memory_space<vmem>>
          %dma_wait3A_389 = tpu.memref_slice %arg4[%mul3A_382, %mul3A_384] : memref<4096x768xf32, #tpu.memory_space<hbm>> -> memref<128x384xf32, #tpu.memory_space<hbm>>
          %dma_wait3A_390 = tpu.memref_slice %run_scoped3A_9[%rem3A_380] : memref<2x!tpu.dma_semaphore, #tpu.memory_space<semaphore_mem>> -> memref<1x!tpu.dma_semaphore, #tpu.memory_space<semaphore_mem>>
          %dma_wait3A_391 = tpu.memref_squeeze %dma_wait3A_390 : memref<1x!tpu.dma_semaphore, #tpu.memory_space<semaphore_mem>> -> memref<!tpu.dma_semaphore, #tpu.memory_space<semaphore_mem>>
          %dma_wait3A_392 = tpu.memref_slice %arg4[%mul3A_382, %mul3A_384] : memref<4096x768xf32, #tpu.memory_space<hbm>> -> memref<128x384xf32, #tpu.memory_space<hbm>>
          %dma_wait3A_393 = arith.constant 0 : i32
          %dma_wait3A_394 = arith.constant 0 : i32
          %dma_wait3A_395 = tpu.memref_slice %run_scoped3A_8[%rem3A_380, %dma_wait3A_393, %dma_wait3A_394] : memref<2x128x384xf32, #tpu.memory_space<vmem>> -> memref<1x128x384xf32, #tpu.memory_space<vmem>>
          %dma_wait3A_396 = tpu.memref_squeeze %dma_wait3A_395 : memref<1x128x384xf32, #tpu.memory_space<vmem>> -> memref<128x384xf32, #tpu.memory_space<vmem>>
          tpu.wait_dma2 semaphore(%dma_wait3A_391 : memref<!tpu.dma_semaphore, #tpu.memory_space<semaphore_mem>>) src(%dma_wait3A_396 : memref<128x384xf32, #tpu.memory_space<vmem>>) dst(%dma_wait3A_392 : memref<128x384xf32, #tpu.memory_space<hbm>>)
          "tpu.trace_stop"() : () -> ()
        } else {
        }
        %and3A_351 = arith.constant true
        %and3A_352 = arith.andi %and3A_347, %and3A_351 : i1
        %add3A_353 = arith.constant 1 : i32
        %add3A_354 = arith.addi %scan3A_196, %add3A_353 : i32
        %select_n3A_355 = arith.select %and3A_352, %add3A_354, %scan3A_196 : i32
        %ne3A_356 = arith.cmpi ne, %add3A_204, %add3A_242 : i32
        %or3A_357 = arith.constant false
        %or3A_358 = arith.ori %or3A_357, %ne3A_356 : i1
        %or3A_359 = arith.ori %or3A_358, %eq3A_202 : i1
        %add3A_360 = arith.constant 1 : i32
        %add3A_361 = arith.addi %scan3A_194, %add3A_360 : i32
        %select_n3A_362 = arith.select %or3A_359, %add3A_361, %scan3A_194 : i32
        %add3A_363 = arith.constant 1 : i32
        %add3A_364 = arith.addi %scan3A_198, %add3A_363 : i32
        %select_n3A_365 = arith.constant true
        %select_n3A_366 = arith.select %select_n3A_365, %add3A_364, %scan3A_198 : i32
        %eq3A_367 = arith.constant 2 : i32
        %eq3A_368 = arith.cmpi eq, %select_n3A_366, %eq3A_367 : i32
        %select_n3A_369 = arith.constant 0 : i32
        %select_n3A_370 = arith.select %eq3A_368, %select_n3A_369, %select_n3A_366 : i32
        %select_n3A_371 = arith.constant 0 : i32
        %select_n3A_372 = arith.constant 1 : i32
        %select_n3A_373 = arith.select %eq3A_368, %select_n3A_372, %select_n3A_371 : i32
        %eq3A_374 = arith.constant 1 : i32
        %eq3A_375 = arith.cmpi eq, %select_n3A_373, %eq3A_374 : i32
        %select_n3A_376 = arith.constant 0 : i32
        %select_n3A_377 = arith.select %eq3A_375, %select_n3A_376, %select_n3A_373 : i32
        %scan3A_378 = arith.constant 0 : i32
        scf.yield %select_n3A_272, %select_n3A_362, %select_n3A_328, %select_n3A_355, %scan3A_378, %select_n3A_370 : i32, i32, i32, i32, i32, i32
      }
      %scan3A_99 = arith.constant 2 : i32
      %sub3A = arith.constant 1 : i32
      %sub3A_100 = arith.subi %scan3A_98#5, %sub3A : i32
      %select_n3A_101 = arith.constant true
      %select_n3A_102 = arith.select %select_n3A_101, %sub3A_100, %scan3A_98#5 : i32
      %eq3A_103 = arith.constant -1 : i32
      %eq3A_104 = arith.cmpi eq, %select_n3A_102, %eq3A_103 : i32
      %select_n3A_105 = arith.constant 1 : i32
      %select_n3A_106 = arith.select %eq3A_104, %select_n3A_105, %select_n3A_102 : i32
      %sub3A_107 = arith.constant 1 : i32
      %sub3A_108 = arith.subi %scan3A_98#4, %sub3A_107 : i32
      %select_n3A_109 = arith.select %eq3A_104, %sub3A_108, %scan3A_98#4 : i32
      %eq3A_110 = arith.constant -1 : i32
      %eq3A_111 = arith.cmpi eq, %select_n3A_109, %eq3A_110 : i32
      %select_n3A_112 = arith.constant 0 : i32
      %select_n3A_113 = arith.select %eq3A_111, %select_n3A_112, %select_n3A_109 : i32
      %add3A_114 = arith.constant 0 : i32
      %add3A_115 = arith.addi %add3A_114, %mul3A_6 : i32
      %add3A_116 = arith.constant 0 : i32
      %add3A_117 = arith.addi %select_n3A_106, %add3A_116 : i32
      %sub3A_118 = arith.constant 1 : i32
      %sub3A_119 = arith.subi %select_n3A_106, %sub3A_118 : i32
      %select_n3A_120 = arith.constant true
      %select_n3A_121 = arith.select %select_n3A_120, %sub3A_119, %select_n3A_106 : i32
      %eq3A_122 = arith.constant -1 : i32
      %eq3A_123 = arith.cmpi eq, %select_n3A_121, %eq3A_122 : i32
      %select_n3A_124 = arith.constant 1 : i32
      %select_n3A_125 = arith.select %eq3A_123, %select_n3A_124, %select_n3A_121 : i32
      %select_n3A_126 = arith.constant 0 : i32
      %select_n3A_127 = arith.constant -1 : i32
      %select_n3A_128 = arith.select %eq3A_123, %select_n3A_127, %select_n3A_126 : i32
      %eq3A_129 = arith.constant -1 : i32
      %eq3A_130 = arith.cmpi eq, %select_n3A_128, %eq3A_129 : i32
      %select_n3A_131 = arith.constant 0 : i32
      %select_n3A_132 = arith.select %eq3A_130, %select_n3A_131, %select_n3A_128 : i32
      %add3A_133 = arith.constant 0 : i32
      %add3A_134 = arith.addi %add3A_133, %mul3A_6 : i32
      %add3A_135 = arith.constant 0 : i32
      %add3A_136 = arith.addi %select_n3A_125, %add3A_135 : i32
      %add3A_137 = arith.constant 1 : i32
      %add3A_138 = arith.addi %select_n3A_106, %add3A_137 : i32
      %select_n3A_139 = arith.constant true
      %select_n3A_140 = arith.select %select_n3A_139, %add3A_138, %select_n3A_106 : i32
      %eq3A_141 = arith.constant 2 : i32
      %eq3A_142 = arith.cmpi eq, %select_n3A_140, %eq3A_141 : i32
      %select_n3A_143 = arith.constant 0 : i32
      %select_n3A_144 = arith.select %eq3A_142, %select_n3A_143, %select_n3A_140 : i32
      %select_n3A_145 = arith.constant 0 : i32
      %select_n3A_146 = arith.constant 1 : i32
      %select_n3A_147 = arith.select %eq3A_142, %select_n3A_146, %select_n3A_145 : i32
      %eq3A_148 = arith.constant 1 : i32
      %eq3A_149 = arith.cmpi eq, %select_n3A_147, %eq3A_148 : i32
      %select_n3A_150 = arith.constant 0 : i32
      %select_n3A_151 = arith.select %eq3A_149, %select_n3A_150, %select_n3A_147 : i32
      %add3A_152 = arith.constant 0 : i32
      %add3A_153 = arith.addi %add3A_152, %mul3A_6 : i32
      %add3A_154 = arith.constant 0 : i32
      %add3A_155 = arith.addi %select_n3A_144, %add3A_154 : i32
      %add3A_156 = arith.constant 1 : i32
      %add3A_157 = arith.addi %select_n3A_144, %add3A_156 : i32
      %select_n3A_158 = arith.constant true
      %select_n3A_159 = arith.select %select_n3A_158, %add3A_157, %select_n3A_144 : i32
      %eq3A_160 = arith.constant 2 : i32
      %eq3A_161 = arith.cmpi eq, %select_n3A_159, %eq3A_160 : i32
      %select_n3A_162 = arith.constant 0 : i32
      %select_n3A_163 = arith.select %eq3A_161, %select_n3A_162, %select_n3A_159 : i32
      %select_n3A_164 = arith.constant 0 : i32
      %select_n3A_165 = arith.constant 1 : i32
      %select_n3A_166 = arith.select %eq3A_161, %select_n3A_165, %select_n3A_164 : i32
      %eq3A_167 = arith.constant 1 : i32
      %eq3A_168 = arith.cmpi eq, %select_n3A_166, %eq3A_167 : i32
      %select_n3A_169 = arith.constant 0 : i32
      %select_n3A_170 = arith.select %eq3A_168, %select_n3A_169, %select_n3A_166 : i32
      %add3A_171 = arith.constant 0 : i32
      %add3A_172 = arith.addi %add3A_171, %mul3A_6 : i32
      %add3A_173 = arith.constant 0 : i32
      %add3A_174 = arith.addi %select_n3A_163, %add3A_173 : i32
      "tpu.trace_start"() <{level = 10 : i32, message = "ep_finalize"}> : () -> ()
      %rem3A_175 = arith.constant 2 : i32
      %rem3A_176 = arith.remui %scan3A_98#3, %rem3A_175 : i32
      %mul3A_177 = arith.constant 128 : i32
      %mul3A_178 = arith.muli %mul3A_177, %add3A_115 : i32
      %mul3A_179 = arith.constant 384 : i32
      %mul3A_180 = arith.muli %mul3A_179, %add3A_117 : i32
      %dma_wait3A = arith.constant 0 : i32
      %dma_wait3A_181 = arith.constant 0 : i32
      %dma_wait3A_182 = tpu.memref_slice %run_scoped3A_8[%rem3A_176, %dma_wait3A, %dma_wait3A_181] : memref<2x128x384xf32, #tpu.memory_space<vmem>> -> memref<1x128x384xf32, #tpu.memory_space<vmem>>
      %dma_wait3A_183 = tpu.memref_squeeze %dma_wait3A_182 : memref<1x128x384xf32, #tpu.memory_space<vmem>> -> memref<128x384xf32, #tpu.memory_space<vmem>>
      %dma_wait3A_184 = tpu.memref_slice %arg4[%mul3A_178, %mul3A_180] : memref<4096x768xf32, #tpu.memory_space<hbm>> -> memref<128x384xf32, #tpu.memory_space<hbm>>
      %dma_wait3A_185 = tpu.memref_slice %run_scoped3A_9[%rem3A_176] : memref<2x!tpu.dma_semaphore, #tpu.memory_space<semaphore_mem>> -> memref<1x!tpu.dma_semaphore, #tpu.memory_space<semaphore_mem>>
      %dma_wait3A_186 = tpu.memref_squeeze %dma_wait3A_185 : memref<1x!tpu.dma_semaphore, #tpu.memory_space<semaphore_mem>> -> memref<!tpu.dma_semaphore, #tpu.memory_space<semaphore_mem>>
      %dma_wait3A_187 = tpu.memref_slice %arg4[%mul3A_178, %mul3A_180] : memref<4096x768xf32, #tpu.memory_space<hbm>> -> memref<128x384xf32, #tpu.memory_space<hbm>>
      %dma_wait3A_188 = arith.constant 0 : i32
      %dma_wait3A_189 = arith.constant 0 : i32
      %dma_wait3A_190 = tpu.memref_slice %run_scoped3A_8[%rem3A_176, %dma_wait3A_188, %dma_wait3A_189] : memref<2x128x384xf32, #tpu.memory_space<vmem>> -> memref<1x128x384xf32, #tpu.memory_space<vmem>>
      %dma_wait3A_191 = tpu.memref_squeeze %dma_wait3A_190 : memref<1x128x384xf32, #tpu.memory_space<vmem>> -> memref<128x384xf32, #tpu.memory_space<vmem>>
      tpu.wait_dma2 semaphore(%dma_wait3A_186 : memref<!tpu.dma_semaphore, #tpu.memory_space<semaphore_mem>>) src(%dma_wait3A_191 : memref<128x384xf32, #tpu.memory_space<vmem>>) dst(%dma_wait3A_187 : memref<128x384xf32, #tpu.memory_space<hbm>>)
      "tpu.trace_stop"() : () -> ()
      tpu.yield
    }) : () -> ()
    return
  }
}

#map = affine_map<(d0, d1) -> (0, 0)>
module attributes {stable_mosaic.version = 14 : i64} {
  func.func @run(%arg0: i32, %arg1: i32, %arg2: memref<2048x768xf32, #tpu.memory_space<hbm>>, %arg3: memref<1x4096xi32, #tpu.memory_space<hbm>>, %arg4: memref<5120x768xf32, #tpu.memory_space<hbm>>) attributes {dimension_semantics = [#tpu.dimension_semantics<core_parallel>, #tpu.dimension_semantics<subcore_parallel>], iteration_bounds = array<i64: 2, 16>, scalar_prefetch = 0 : i64, scratch_operands = 0 : i64, tpu.core_type = #tpu.core_type<sc_vector_subcore>, window_params = [{transform_indices = #map}, {transform_indices = #map}, {transform_indices = #map}]} {
    %mul3A = arith.constant 1 : i32
    %mul3A_0 = arith.muli %arg1, %mul3A : i32
    %add3A = arith.constant 0 : i32
    %add3A_1 = arith.addi %add3A, %mul3A_0 : i32
    %mul3A_2 = arith.constant 16 : i32
    %mul3A_3 = arith.muli %arg0, %mul3A_2 : i32
    %add3A_4 = arith.addi %add3A_1, %mul3A_3 : i32
    %mul3A_5 = arith.constant 1 : i32
    %mul3A_6 = arith.muli %add3A_4, %mul3A_5 : i32
    "tpu.region"() ({
      %run_scoped3A = memref.alloca() : memref<2x128x384xf32, #tpu.memory_space<vmem>>
      %run_scoped3A_7 = tpu.sem_alloc : memref<2x!tpu.dma_semaphore, #tpu.memory_space<semaphore_mem>>
      %run_scoped3A_8 = memref.alloca() : memref<2x1x128xi32, #tpu.memory_space<vmem>>
      %run_scoped3A_9 = tpu.sem_alloc : memref<2x!tpu.dma_semaphore, #tpu.memory_space<semaphore_mem>>
      %add3A_10 = arith.constant 0 : i32
      %add3A_11 = arith.addi %add3A_10, %mul3A_6 : i32
      %select_n3A = arith.constant true
      %select_n3A_12 = arith.constant 0 : i32
      %select_n3A_13 = arith.constant -1 : i32
      %select_n3A_14 = arith.select %select_n3A, %select_n3A_13, %select_n3A_12 : i32
      %eq3A = arith.constant -1 : i32
      %eq3A_15 = arith.cmpi eq, %select_n3A_14, %eq3A : i32
      %select_n3A_16 = arith.constant 1 : i32
      %select_n3A_17 = arith.select %eq3A_15, %select_n3A_16, %select_n3A_14 : i32
      %select_n3A_18 = arith.constant 0 : i32
      %select_n3A_19 = arith.constant -1 : i32
      %select_n3A_20 = arith.select %eq3A_15, %select_n3A_19, %select_n3A_18 : i32
      %eq3A_21 = arith.constant -1 : i32
      %eq3A_22 = arith.cmpi eq, %select_n3A_20, %eq3A_21 : i32
      %select_n3A_23 = arith.constant 0 : i32
      %select_n3A_24 = arith.select %eq3A_22, %select_n3A_23, %select_n3A_20 : i32
      %add3A_25 = arith.constant 0 : i32
      %add3A_26 = arith.addi %add3A_25, %mul3A_6 : i32
      %add3A_27 = arith.constant 0 : i32
      %add3A_28 = arith.addi %select_n3A_17, %add3A_27 : i32
      %select_n3A_29 = arith.constant true
      %select_n3A_30 = arith.constant 0 : i32
      %select_n3A_31 = arith.constant 1 : i32
      %select_n3A_32 = arith.select %select_n3A_29, %select_n3A_31, %select_n3A_30 : i32
      %eq3A_33 = arith.constant 2 : i32
      %eq3A_34 = arith.cmpi eq, %select_n3A_32, %eq3A_33 : i32
      %select_n3A_35 = arith.constant 0 : i32
      %select_n3A_36 = arith.select %eq3A_34, %select_n3A_35, %select_n3A_32 : i32
      %select_n3A_37 = arith.constant 0 : i32
      %select_n3A_38 = arith.constant 1 : i32
      %select_n3A_39 = arith.select %eq3A_34, %select_n3A_38, %select_n3A_37 : i32
      %eq3A_40 = arith.constant 1 : i32
      %eq3A_41 = arith.cmpi eq, %select_n3A_39, %eq3A_40 : i32
      %select_n3A_42 = arith.constant 0 : i32
      %select_n3A_43 = arith.select %eq3A_41, %select_n3A_42, %select_n3A_39 : i32
      %add3A_44 = arith.constant 0 : i32
      %add3A_45 = arith.addi %add3A_44, %mul3A_6 : i32
      %add3A_46 = arith.constant 0 : i32
      %add3A_47 = arith.addi %select_n3A_36, %add3A_46 : i32
      %add3A_48 = arith.constant 1 : i32
      %add3A_49 = arith.addi %select_n3A_36, %add3A_48 : i32
      %select_n3A_50 = arith.constant true
      %select_n3A_51 = arith.select %select_n3A_50, %add3A_49, %select_n3A_36 : i32
      %eq3A_52 = arith.constant 2 : i32
      %eq3A_53 = arith.cmpi eq, %select_n3A_51, %eq3A_52 : i32
      %select_n3A_54 = arith.constant 0 : i32
      %select_n3A_55 = arith.select %eq3A_53, %select_n3A_54, %select_n3A_51 : i32
      %select_n3A_56 = arith.constant 0 : i32
      %select_n3A_57 = arith.constant 1 : i32
      %select_n3A_58 = arith.select %eq3A_53, %select_n3A_57, %select_n3A_56 : i32
      %eq3A_59 = arith.constant 1 : i32
      %eq3A_60 = arith.cmpi eq, %select_n3A_58, %eq3A_59 : i32
      %select_n3A_61 = arith.constant 0 : i32
      %select_n3A_62 = arith.select %eq3A_60, %select_n3A_61, %select_n3A_58 : i32
      %add3A_63 = arith.constant 0 : i32
      %add3A_64 = arith.addi %add3A_63, %mul3A_6 : i32
      %add3A_65 = arith.constant 0 : i32
      %add3A_66 = arith.addi %select_n3A_55, %add3A_65 : i32
      "tpu.trace_start"() <{level = 10 : i32, message = "ep_initialize_0"}> : () -> ()
      %rem3A = arith.constant 0 : i32
      %rem3A_67 = arith.constant 2 : i32
      %rem3A_68 = arith.remui %rem3A, %rem3A_67 : i32
      %jit3A = arith.constant 16 : i32
      %eq3A_69 = arith.constant 0 : i32
      %eq3A_70 = arith.cmpi eq, %jit3A, %eq3A_69 : i32
      %jit3A_71 = arith.constant 1 : i32
      %select_n3A_72 = arith.select %eq3A_70, %jit3A_71, %jit3A : i32
      %rem3A_73 = arith.remsi %add3A_11, %select_n3A_72 : i32
      %ne3A = arith.constant 0 : i32
      %ne3A_74 = arith.cmpi ne, %rem3A_73, %ne3A : i32
      %lt3A = arith.constant 0 : i32
      %lt3A_75 = arith.cmpi slt, %rem3A_73, %lt3A : i32
      %lt3A_76 = arith.constant 0 : i32
      %lt3A_77 = arith.cmpi slt, %select_n3A_72, %lt3A_76 : i32
      %ne3A_78 = arith.xori %lt3A_75, %lt3A_77 : i1
      %and3A = arith.andi %ne3A_78, %ne3A_74 : i1
      %add3A_79 = arith.addi %rem3A_73, %select_n3A_72 : i32
      %select_n3A_80 = arith.select %and3A, %add3A_79, %rem3A_73 : i32
      %mul3A_81 = arith.constant 128 : i32
      %mul3A_82 = arith.muli %mul3A_81, %select_n3A_80 : i32
      %dma_start3A = arith.constant 0 : i32
      %dma_start3A_83 = arith.constant 0 : i32
      %dma_start3A_84 = tpu.memref_slice %run_scoped3A[%rem3A_68, %dma_start3A, %dma_start3A_83] : memref<2x128x384xf32, #tpu.memory_space<vmem>> -> memref<1x128x384xf32, #tpu.memory_space<vmem>>
      %dma_start3A_85 = tpu.memref_squeeze %dma_start3A_84 : memref<1x128x384xf32, #tpu.memory_space<vmem>> -> memref<128x384xf32, #tpu.memory_space<vmem>>
      %dma_start3A_86 = arith.constant 0 : i32
      %dma_start3A_87 = tpu.memref_slice %arg2[%mul3A_82, %dma_start3A_86] : memref<2048x768xf32, #tpu.memory_space<hbm>> -> memref<128x384xf32, #tpu.memory_space<hbm>>
      %dma_start3A_88 = tpu.memref_slice %run_scoped3A_7[%rem3A_68] : memref<2x!tpu.dma_semaphore, #tpu.memory_space<semaphore_mem>> -> memref<1x!tpu.dma_semaphore, #tpu.memory_space<semaphore_mem>>
      %dma_start3A_89 = tpu.memref_squeeze %dma_start3A_88 : memref<1x!tpu.dma_semaphore, #tpu.memory_space<semaphore_mem>> -> memref<!tpu.dma_semaphore, #tpu.memory_space<semaphore_mem>>
      %dma_start3A_90 = arith.constant 0 : i32
      %dma_start3A_91 = arith.constant 0 : i32
      %dma_start3A_92 = tpu.memref_slice %run_scoped3A[%rem3A_68, %dma_start3A_90, %dma_start3A_91] : memref<2x128x384xf32, #tpu.memory_space<vmem>> -> memref<1x128x384xf32, #tpu.memory_space<vmem>>
      %dma_start3A_93 = tpu.memref_squeeze %dma_start3A_92 : memref<1x128x384xf32, #tpu.memory_space<vmem>> -> memref<128x384xf32, #tpu.memory_space<vmem>>
      %dma_start3A_94 = arith.constant 0 : i32
      %dma_start3A_95 = tpu.memref_slice %arg2[%mul3A_82, %dma_start3A_94] : memref<2048x768xf32, #tpu.memory_space<hbm>> -> memref<128x384xf32, #tpu.memory_space<hbm>>
      tpu.enqueue_dma source(%dma_start3A_95 : memref<128x384xf32, #tpu.memory_space<hbm>>) target(%dma_start3A_93 : memref<128x384xf32, #tpu.memory_space<vmem>>) target_semaphore(%dma_start3A_89 : memref<!tpu.dma_semaphore, #tpu.memory_space<semaphore_mem>>)
      %add3A_96 = arith.constant 0 : i32
      %add3A_97 = arith.constant 1 : i32
      %add3A_98 = arith.addi %add3A_96, %add3A_97 : i32
      %select_n3A_99 = arith.constant true
      %select_n3A_100 = arith.constant 0 : i32
      %select_n3A_101 = arith.select %select_n3A_99, %add3A_98, %select_n3A_100 : i32
      %rem3A_102 = arith.constant 0 : i32
      %rem3A_103 = arith.constant 2 : i32
      %rem3A_104 = arith.remui %rem3A_102, %rem3A_103 : i32
      %mul3A_105 = arith.constant 128 : i32
      %mul3A_106 = arith.muli %mul3A_105, %add3A_11 : i32
      %dma_start3A_107 = arith.constant 0 : i32
      %dma_start3A_108 = arith.constant 0 : i32
      %dma_start3A_109 = tpu.memref_slice %run_scoped3A_8[%rem3A_104, %dma_start3A_107, %dma_start3A_108] : memref<2x1x128xi32, #tpu.memory_space<vmem>> -> memref<1x1x128xi32, #tpu.memory_space<vmem>>
      %dma_start3A_110 = tpu.memref_squeeze %dma_start3A_109 : memref<1x1x128xi32, #tpu.memory_space<vmem>> -> memref<1x128xi32, #tpu.memory_space<vmem>>
      %dma_start3A_111 = arith.constant 0 : i32
      %dma_start3A_112 = tpu.memref_slice %arg3[%dma_start3A_111, %mul3A_106] : memref<1x4096xi32, #tpu.memory_space<hbm>> -> memref<1x128xi32, #tpu.memory_space<hbm>>
      %dma_start3A_113 = tpu.memref_slice %run_scoped3A_9[%rem3A_104] : memref<2x!tpu.dma_semaphore, #tpu.memory_space<semaphore_mem>> -> memref<1x!tpu.dma_semaphore, #tpu.memory_space<semaphore_mem>>
      %dma_start3A_114 = tpu.memref_squeeze %dma_start3A_113 : memref<1x!tpu.dma_semaphore, #tpu.memory_space<semaphore_mem>> -> memref<!tpu.dma_semaphore, #tpu.memory_space<semaphore_mem>>
      %dma_start3A_115 = arith.constant 0 : i32
      %dma_start3A_116 = arith.constant 0 : i32
      %dma_start3A_117 = tpu.memref_slice %run_scoped3A_8[%rem3A_104, %dma_start3A_115, %dma_start3A_116] : memref<2x1x128xi32, #tpu.memory_space<vmem>> -> memref<1x1x128xi32, #tpu.memory_space<vmem>>
      %dma_start3A_118 = tpu.memref_squeeze %dma_start3A_117 : memref<1x1x128xi32, #tpu.memory_space<vmem>> -> memref<1x128xi32, #tpu.memory_space<vmem>>
      %dma_start3A_119 = arith.constant 0 : i32
      %dma_start3A_120 = tpu.memref_slice %arg3[%dma_start3A_119, %mul3A_106] : memref<1x4096xi32, #tpu.memory_space<hbm>> -> memref<1x128xi32, #tpu.memory_space<hbm>>
      tpu.enqueue_dma source(%dma_start3A_120 : memref<1x128xi32, #tpu.memory_space<hbm>>) target(%dma_start3A_118 : memref<1x128xi32, #tpu.memory_space<vmem>>) target_semaphore(%dma_start3A_114 : memref<!tpu.dma_semaphore, #tpu.memory_space<semaphore_mem>>)
      %add3A_121 = arith.constant 0 : i32
      %add3A_122 = arith.constant 1 : i32
      %add3A_123 = arith.addi %add3A_121, %add3A_122 : i32
      %select_n3A_124 = arith.constant true
      %select_n3A_125 = arith.constant 0 : i32
      %select_n3A_126 = arith.select %select_n3A_124, %add3A_123, %select_n3A_125 : i32
      "tpu.trace_stop"() : () -> ()
      %scan3A = arith.constant 0 : i32
      %scan3A_127 = arith.constant 0 : i32
      %scan3A_128 = arith.constant 0 : i32
      %scan3A_129 = arith.constant 0 : i32
      %scan3A_130 = arith.constant 0 : i32
      %scan3A_131 = arith.constant 2 : i32
      %scan3A_132 = arith.addi %scan3A_130, %scan3A_131 : i32
      %scan3A_133 = arith.constant 1 : i32
      %scan3A_134:6 = scf.for %scan3A_211 = %scan3A_130 to %scan3A_132 step %scan3A_133 iter_args(%scan3A_212 = %select_n3A_101, %scan3A_213 = %scan3A, %scan3A_214 = %select_n3A_126, %scan3A_215 = %scan3A_127, %scan3A_216 = %scan3A_128, %scan3A_217 = %scan3A_129) -> (i32, i32, i32, i32, i32, i32)  : i32 {
        %eq3A_218 = arith.constant 0 : i32
        %eq3A_219 = arith.cmpi eq, %scan3A_211, %eq3A_218 : i32
        %eq3A_220 = arith.constant 1 : i32
        %eq3A_221 = arith.cmpi eq, %scan3A_211, %eq3A_220 : i32
        %add3A_222 = arith.constant 0 : i32
        %add3A_223 = arith.addi %add3A_222, %mul3A_6 : i32
        %add3A_224 = arith.constant 0 : i32
        %add3A_225 = arith.addi %scan3A_217, %add3A_224 : i32
        %sub3A_226 = arith.constant 1 : i32
        %sub3A_227 = arith.subi %scan3A_217, %sub3A_226 : i32
        %select_n3A_228 = arith.constant true
        %select_n3A_229 = arith.select %select_n3A_228, %sub3A_227, %scan3A_217 : i32
        %eq3A_230 = arith.constant -1 : i32
        %eq3A_231 = arith.cmpi eq, %select_n3A_229, %eq3A_230 : i32
        %select_n3A_232 = arith.constant 1 : i32
        %select_n3A_233 = arith.select %eq3A_231, %select_n3A_232, %select_n3A_229 : i32
        %select_n3A_234 = arith.constant 0 : i32
        %select_n3A_235 = arith.constant -1 : i32
        %select_n3A_236 = arith.select %eq3A_231, %select_n3A_235, %select_n3A_234 : i32
        %eq3A_237 = arith.constant -1 : i32
        %eq3A_238 = arith.cmpi eq, %select_n3A_236, %eq3A_237 : i32
        %select_n3A_239 = arith.constant 0 : i32
        %select_n3A_240 = arith.select %eq3A_238, %select_n3A_239, %select_n3A_236 : i32
        %add3A_241 = arith.constant 0 : i32
        %add3A_242 = arith.addi %add3A_241, %mul3A_6 : i32
        %add3A_243 = arith.constant 0 : i32
        %add3A_244 = arith.addi %select_n3A_233, %add3A_243 : i32
        %add3A_245 = arith.constant 1 : i32
        %add3A_246 = arith.addi %scan3A_217, %add3A_245 : i32
        %select_n3A_247 = arith.constant true
        %select_n3A_248 = arith.select %select_n3A_247, %add3A_246, %scan3A_217 : i32
        %eq3A_249 = arith.constant 2 : i32
        %eq3A_250 = arith.cmpi eq, %select_n3A_248, %eq3A_249 : i32
        %select_n3A_251 = arith.constant 0 : i32
        %select_n3A_252 = arith.select %eq3A_250, %select_n3A_251, %select_n3A_248 : i32
        %select_n3A_253 = arith.constant 0 : i32
        %select_n3A_254 = arith.constant 1 : i32
        %select_n3A_255 = arith.select %eq3A_250, %select_n3A_254, %select_n3A_253 : i32
        %eq3A_256 = arith.constant 1 : i32
        %eq3A_257 = arith.cmpi eq, %select_n3A_255, %eq3A_256 : i32
        %select_n3A_258 = arith.constant 0 : i32
        %select_n3A_259 = arith.select %eq3A_257, %select_n3A_258, %select_n3A_255 : i32
        %add3A_260 = arith.constant 0 : i32
        %add3A_261 = arith.addi %add3A_260, %mul3A_6 : i32
        %add3A_262 = arith.constant 0 : i32
        %add3A_263 = arith.addi %select_n3A_252, %add3A_262 : i32
        %add3A_264 = arith.constant 1 : i32
        %add3A_265 = arith.addi %select_n3A_252, %add3A_264 : i32
        %select_n3A_266 = arith.constant true
        %select_n3A_267 = arith.select %select_n3A_266, %add3A_265, %select_n3A_252 : i32
        %eq3A_268 = arith.constant 2 : i32
        %eq3A_269 = arith.cmpi eq, %select_n3A_267, %eq3A_268 : i32
        %select_n3A_270 = arith.constant 0 : i32
        %select_n3A_271 = arith.select %eq3A_269, %select_n3A_270, %select_n3A_267 : i32
        %select_n3A_272 = arith.constant 0 : i32
        %select_n3A_273 = arith.constant 1 : i32
        %select_n3A_274 = arith.select %eq3A_269, %select_n3A_273, %select_n3A_272 : i32
        %eq3A_275 = arith.constant 1 : i32
        %eq3A_276 = arith.cmpi eq, %select_n3A_274, %eq3A_275 : i32
        %select_n3A_277 = arith.constant 0 : i32
        %select_n3A_278 = arith.select %eq3A_276, %select_n3A_277, %select_n3A_274 : i32
        %add3A_279 = arith.constant 0 : i32
        %add3A_280 = arith.addi %add3A_279, %mul3A_6 : i32
        %add3A_281 = arith.constant 0 : i32
        %add3A_282 = arith.addi %select_n3A_271, %add3A_281 : i32
        %jit3A_283 = arith.constant 16 : i32
        %eq3A_284 = arith.constant 0 : i32
        %eq3A_285 = arith.cmpi eq, %jit3A_283, %eq3A_284 : i32
        %jit3A_286 = arith.constant 1 : i32
        %select_n3A_287 = arith.select %eq3A_285, %jit3A_286, %jit3A_283 : i32
        %rem3A_288 = arith.remsi %add3A_223, %select_n3A_287 : i32
        %ne3A_289 = arith.constant 0 : i32
        %ne3A_290 = arith.cmpi ne, %rem3A_288, %ne3A_289 : i32
        %lt3A_291 = arith.constant 0 : i32
        %lt3A_292 = arith.cmpi slt, %rem3A_288, %lt3A_291 : i32
        %lt3A_293 = arith.constant 0 : i32
        %lt3A_294 = arith.cmpi slt, %select_n3A_287, %lt3A_293 : i32
        %ne3A_295 = arith.xori %lt3A_292, %lt3A_294 : i1
        %and3A_296 = arith.andi %ne3A_295, %ne3A_290 : i1
        %add3A_297 = arith.addi %rem3A_288, %select_n3A_287 : i32
        %select_n3A_298 = arith.select %and3A_296, %add3A_297, %rem3A_288 : i32
        %jit3A_299 = arith.constant 16 : i32
        %eq3A_300 = arith.constant 0 : i32
        %eq3A_301 = arith.cmpi eq, %jit3A_299, %eq3A_300 : i32
        %jit3A_302 = arith.constant 1 : i32
        %select_n3A_303 = arith.select %eq3A_301, %jit3A_302, %jit3A_299 : i32
        %rem3A_304 = arith.remsi %add3A_261, %select_n3A_303 : i32
        %ne3A_305 = arith.constant 0 : i32
        %ne3A_306 = arith.cmpi ne, %rem3A_304, %ne3A_305 : i32
        %lt3A_307 = arith.constant 0 : i32
        %lt3A_308 = arith.cmpi slt, %rem3A_304, %lt3A_307 : i32
        %lt3A_309 = arith.constant 0 : i32
        %lt3A_310 = arith.cmpi slt, %select_n3A_303, %lt3A_309 : i32
        %ne3A_311 = arith.xori %lt3A_308, %lt3A_310 : i1
        %and3A_312 = arith.andi %ne3A_311, %ne3A_306 : i1
        %add3A_313 = arith.addi %rem3A_304, %select_n3A_303 : i32
        %select_n3A_314 = arith.select %and3A_312, %add3A_313, %rem3A_304 : i32
        %ne3A_315 = arith.cmpi ne, %select_n3A_298, %select_n3A_314 : i32
        %ne3A_316 = arith.cmpi ne, %add3A_225, %add3A_263 : i32
        %or3A = arith.constant false
        %or3A_317 = arith.ori %or3A, %ne3A_315 : i1
        %or3A_318 = arith.ori %or3A_317, %ne3A_316 : i1
        %ge3A = arith.constant 1 : i32
        %ge3A_319 = arith.cmpi sge, %scan3A_211, %ge3A : i32
        %not3A = arith.constant true
        %not3A_320 = arith.xori %ge3A_319, %not3A : i1
        %and3A_321 = arith.andi %or3A_318, %not3A_320 : i1
        %convert_element_type3A = arith.extui %and3A_321 : i1 to i32
        %cond3A = arith.constant 0 : i32
        %cond3A_322 = arith.cmpi ne, %convert_element_type3A, %cond3A : i32
        scf.if %cond3A_322 {
          "tpu.trace_start"() <{level = 10 : i32, message = "ep_copy_in"}> : () -> ()
          %rem3A_571 = arith.constant 2 : i32
          %rem3A_572 = arith.remui %scan3A_212, %rem3A_571 : i32
          %jit3A_573 = arith.constant 16 : i32
          %eq3A_574 = arith.constant 0 : i32
          %eq3A_575 = arith.cmpi eq, %jit3A_573, %eq3A_574 : i32
          %jit3A_576 = arith.constant 1 : i32
          %select_n3A_577 = arith.select %eq3A_575, %jit3A_576, %jit3A_573 : i32
          %rem3A_578 = arith.remsi %add3A_261, %select_n3A_577 : i32
          %ne3A_579 = arith.constant 0 : i32
          %ne3A_580 = arith.cmpi ne, %rem3A_578, %ne3A_579 : i32
          %lt3A_581 = arith.constant 0 : i32
          %lt3A_582 = arith.cmpi slt, %rem3A_578, %lt3A_581 : i32
          %lt3A_583 = arith.constant 0 : i32
          %lt3A_584 = arith.cmpi slt, %select_n3A_577, %lt3A_583 : i32
          %ne3A_585 = arith.xori %lt3A_582, %lt3A_584 : i1
          %and3A_586 = arith.andi %ne3A_585, %ne3A_580 : i1
          %add3A_587 = arith.addi %rem3A_578, %select_n3A_577 : i32
          %select_n3A_588 = arith.select %and3A_586, %add3A_587, %rem3A_578 : i32
          %mul3A_589 = arith.constant 128 : i32
          %mul3A_590 = arith.muli %mul3A_589, %select_n3A_588 : i32
          %mul3A_591 = arith.constant 384 : i32
          %mul3A_592 = arith.muli %mul3A_591, %add3A_263 : i32
          %dma_start3A_593 = arith.constant 0 : i32
          %dma_start3A_594 = arith.constant 0 : i32
          %dma_start3A_595 = tpu.memref_slice %run_scoped3A[%rem3A_572, %dma_start3A_593, %dma_start3A_594] : memref<2x128x384xf32, #tpu.memory_space<vmem>> -> memref<1x128x384xf32, #tpu.memory_space<vmem>>
          %dma_start3A_596 = tpu.memref_squeeze %dma_start3A_595 : memref<1x128x384xf32, #tpu.memory_space<vmem>> -> memref<128x384xf32, #tpu.memory_space<vmem>>
          %dma_start3A_597 = tpu.memref_slice %arg2[%mul3A_590, %mul3A_592] : memref<2048x768xf32, #tpu.memory_space<hbm>> -> memref<128x384xf32, #tpu.memory_space<hbm>>
          %dma_start3A_598 = tpu.memref_slice %run_scoped3A_7[%rem3A_572] : memref<2x!tpu.dma_semaphore, #tpu.memory_space<semaphore_mem>> -> memref<1x!tpu.dma_semaphore, #tpu.memory_space<semaphore_mem>>
          %dma_start3A_599 = tpu.memref_squeeze %dma_start3A_598 : memref<1x!tpu.dma_semaphore, #tpu.memory_space<semaphore_mem>> -> memref<!tpu.dma_semaphore, #tpu.memory_space<semaphore_mem>>
          %dma_start3A_600 = arith.constant 0 : i32
          %dma_start3A_601 = arith.constant 0 : i32
          %dma_start3A_602 = tpu.memref_slice %run_scoped3A[%rem3A_572, %dma_start3A_600, %dma_start3A_601] : memref<2x128x384xf32, #tpu.memory_space<vmem>> -> memref<1x128x384xf32, #tpu.memory_space<vmem>>
          %dma_start3A_603 = tpu.memref_squeeze %dma_start3A_602 : memref<1x128x384xf32, #tpu.memory_space<vmem>> -> memref<128x384xf32, #tpu.memory_space<vmem>>
          %dma_start3A_604 = tpu.memref_slice %arg2[%mul3A_590, %mul3A_592] : memref<2048x768xf32, #tpu.memory_space<hbm>> -> memref<128x384xf32, #tpu.memory_space<hbm>>
          tpu.enqueue_dma source(%dma_start3A_604 : memref<128x384xf32, #tpu.memory_space<hbm>>) target(%dma_start3A_603 : memref<128x384xf32, #tpu.memory_space<vmem>>) target_semaphore(%dma_start3A_599 : memref<!tpu.dma_semaphore, #tpu.memory_space<semaphore_mem>>)
          "tpu.trace_stop"() : () -> ()
        } else {
        }
        %and3A_323 = arith.constant true
        %and3A_324 = arith.andi %and3A_321, %and3A_323 : i1
        %add3A_325 = arith.constant 1 : i32
        %add3A_326 = arith.addi %scan3A_212, %add3A_325 : i32
        %select_n3A_327 = arith.select %and3A_324, %add3A_326, %scan3A_212 : i32
        %ne3A_328 = arith.cmpi ne, %add3A_223, %add3A_261 : i32
        %or3A_329 = arith.constant false
        %or3A_330 = arith.ori %or3A_329, %ne3A_328 : i1
        %ge3A_331 = arith.constant 1 : i32
        %ge3A_332 = arith.cmpi sge, %scan3A_211, %ge3A_331 : i32
        %not3A_333 = arith.constant true
        %not3A_334 = arith.xori %ge3A_332, %not3A_333 : i1
        %and3A_335 = arith.andi %or3A_330, %not3A_334 : i1
        %convert_element_type3A_336 = arith.extui %and3A_335 : i1 to i32
        %cond3A_337 = arith.constant 0 : i32
        %cond3A_338 = arith.cmpi ne, %convert_element_type3A_336, %cond3A_337 : i32
        scf.if %cond3A_338 {
          "tpu.trace_start"() <{level = 10 : i32, message = "ep_copy_in"}> : () -> ()
          %rem3A_571 = arith.constant 2 : i32
          %rem3A_572 = arith.remui %scan3A_214, %rem3A_571 : i32
          %mul3A_573 = arith.constant 128 : i32
          %mul3A_574 = arith.muli %mul3A_573, %add3A_261 : i32
          %dma_start3A_575 = arith.constant 0 : i32
          %dma_start3A_576 = arith.constant 0 : i32
          %dma_start3A_577 = tpu.memref_slice %run_scoped3A_8[%rem3A_572, %dma_start3A_575, %dma_start3A_576] : memref<2x1x128xi32, #tpu.memory_space<vmem>> -> memref<1x1x128xi32, #tpu.memory_space<vmem>>
          %dma_start3A_578 = tpu.memref_squeeze %dma_start3A_577 : memref<1x1x128xi32, #tpu.memory_space<vmem>> -> memref<1x128xi32, #tpu.memory_space<vmem>>
          %dma_start3A_579 = arith.constant 0 : i32
          %dma_start3A_580 = tpu.memref_slice %arg3[%dma_start3A_579, %mul3A_574] : memref<1x4096xi32, #tpu.memory_space<hbm>> -> memref<1x128xi32, #tpu.memory_space<hbm>>
          %dma_start3A_581 = tpu.memref_slice %run_scoped3A_9[%rem3A_572] : memref<2x!tpu.dma_semaphore, #tpu.memory_space<semaphore_mem>> -> memref<1x!tpu.dma_semaphore, #tpu.memory_space<semaphore_mem>>
          %dma_start3A_582 = tpu.memref_squeeze %dma_start3A_581 : memref<1x!tpu.dma_semaphore, #tpu.memory_space<semaphore_mem>> -> memref<!tpu.dma_semaphore, #tpu.memory_space<semaphore_mem>>
          %dma_start3A_583 = arith.constant 0 : i32
          %dma_start3A_584 = arith.constant 0 : i32
          %dma_start3A_585 = tpu.memref_slice %run_scoped3A_8[%rem3A_572, %dma_start3A_583, %dma_start3A_584] : memref<2x1x128xi32, #tpu.memory_space<vmem>> -> memref<1x1x128xi32, #tpu.memory_space<vmem>>
          %dma_start3A_586 = tpu.memref_squeeze %dma_start3A_585 : memref<1x1x128xi32, #tpu.memory_space<vmem>> -> memref<1x128xi32, #tpu.memory_space<vmem>>
          %dma_start3A_587 = arith.constant 0 : i32
          %dma_start3A_588 = tpu.memref_slice %arg3[%dma_start3A_587, %mul3A_574] : memref<1x4096xi32, #tpu.memory_space<hbm>> -> memref<1x128xi32, #tpu.memory_space<hbm>>
          tpu.enqueue_dma source(%dma_start3A_588 : memref<1x128xi32, #tpu.memory_space<hbm>>) target(%dma_start3A_586 : memref<1x128xi32, #tpu.memory_space<vmem>>) target_semaphore(%dma_start3A_582 : memref<!tpu.dma_semaphore, #tpu.memory_space<semaphore_mem>>)
          "tpu.trace_stop"() : () -> ()
        } else {
        }
        %and3A_339 = arith.constant true
        %and3A_340 = arith.andi %and3A_335, %and3A_339 : i1
        %add3A_341 = arith.constant 1 : i32
        %add3A_342 = arith.addi %scan3A_214, %add3A_341 : i32
        %select_n3A_343 = arith.select %and3A_340, %add3A_342, %scan3A_214 : i32
        %jit3A_344 = arith.constant 16 : i32
        %eq3A_345 = arith.constant 0 : i32
        %eq3A_346 = arith.cmpi eq, %jit3A_344, %eq3A_345 : i32
        %jit3A_347 = arith.constant 1 : i32
        %select_n3A_348 = arith.select %eq3A_346, %jit3A_347, %jit3A_344 : i32
        %rem3A_349 = arith.remsi %add3A_223, %select_n3A_348 : i32
        %ne3A_350 = arith.constant 0 : i32
        %ne3A_351 = arith.cmpi ne, %rem3A_349, %ne3A_350 : i32
        %lt3A_352 = arith.constant 0 : i32
        %lt3A_353 = arith.cmpi slt, %rem3A_349, %lt3A_352 : i32
        %lt3A_354 = arith.constant 0 : i32
        %lt3A_355 = arith.cmpi slt, %select_n3A_348, %lt3A_354 : i32
        %ne3A_356 = arith.xori %lt3A_353, %lt3A_355 : i1
        %and3A_357 = arith.andi %ne3A_356, %ne3A_351 : i1
        %add3A_358 = arith.addi %rem3A_349, %select_n3A_348 : i32
        %select_n3A_359 = arith.select %and3A_357, %add3A_358, %rem3A_349 : i32
        %jit3A_360 = arith.constant 16 : i32
        %eq3A_361 = arith.constant 0 : i32
        %eq3A_362 = arith.cmpi eq, %jit3A_360, %eq3A_361 : i32
        %jit3A_363 = arith.constant 1 : i32
        %select_n3A_364 = arith.select %eq3A_362, %jit3A_363, %jit3A_360 : i32
        %rem3A_365 = arith.remsi %add3A_242, %select_n3A_364 : i32
        %ne3A_366 = arith.constant 0 : i32
        %ne3A_367 = arith.cmpi ne, %rem3A_365, %ne3A_366 : i32
        %lt3A_368 = arith.constant 0 : i32
        %lt3A_369 = arith.cmpi slt, %rem3A_365, %lt3A_368 : i32
        %lt3A_370 = arith.constant 0 : i32
        %lt3A_371 = arith.cmpi slt, %select_n3A_364, %lt3A_370 : i32
        %ne3A_372 = arith.xori %lt3A_369, %lt3A_371 : i1
        %and3A_373 = arith.andi %ne3A_372, %ne3A_367 : i1
        %add3A_374 = arith.addi %rem3A_365, %select_n3A_364 : i32
        %select_n3A_375 = arith.select %and3A_373, %add3A_374, %rem3A_365 : i32
        %ne3A_376 = arith.cmpi ne, %select_n3A_359, %select_n3A_375 : i32
        %ne3A_377 = arith.cmpi ne, %add3A_225, %add3A_244 : i32
        %or3A_378 = arith.constant false
        %or3A_379 = arith.ori %or3A_378, %ne3A_376 : i1
        %or3A_380 = arith.ori %or3A_379, %ne3A_377 : i1
        %or3A_381 = arith.ori %or3A_380, %eq3A_219 : i1
        %convert_element_type3A_382 = arith.extui %or3A_381 : i1 to i32
        %cond3A_383 = arith.constant 0 : i32
        %cond3A_384 = arith.cmpi ne, %convert_element_type3A_382, %cond3A_383 : i32
        scf.if %cond3A_384 {
          %jit3A_571 = arith.constant 16 : i32
          "tpu.trace_start"() <{level = 10 : i32, message = "ep_wait_in"}> : () -> ()
          %eq3A_572 = arith.constant 0 : i32
          %eq3A_573 = arith.cmpi eq, %jit3A_571, %eq3A_572 : i32
          %jit3A_574 = arith.constant 1 : i32
          %select_n3A_575 = arith.select %eq3A_573, %jit3A_574, %jit3A_571 : i32
          %rem3A_576 = arith.remsi %add3A_223, %select_n3A_575 : i32
          %ne3A_577 = arith.constant 0 : i32
          %ne3A_578 = arith.cmpi ne, %rem3A_576, %ne3A_577 : i32
          %lt3A_579 = arith.constant 0 : i32
          %lt3A_580 = arith.cmpi slt, %rem3A_576, %lt3A_579 : i32
          %lt3A_581 = arith.constant 0 : i32
          %lt3A_582 = arith.cmpi slt, %select_n3A_575, %lt3A_581 : i32
          %ne3A_583 = arith.xori %lt3A_580, %lt3A_582 : i1
          %and3A_584 = arith.andi %ne3A_583, %ne3A_578 : i1
          %add3A_585 = arith.addi %rem3A_576, %select_n3A_575 : i32
          %select_n3A_586 = arith.select %and3A_584, %add3A_585, %rem3A_576 : i32
          %mul3A_587 = arith.constant 128 : i32
          %mul3A_588 = arith.muli %mul3A_587, %select_n3A_586 : i32
          %mul3A_589 = arith.constant 384 : i32
          %mul3A_590 = arith.muli %mul3A_589, %add3A_225 : i32
          %rem3A_591 = arith.constant 2 : i32
          %rem3A_592 = arith.remui %scan3A_213, %rem3A_591 : i32
          %dma_wait3A = arith.constant 0 : i32
          %dma_wait3A_593 = arith.constant 0 : i32
          %dma_wait3A_594 = tpu.memref_slice %run_scoped3A[%rem3A_592, %dma_wait3A, %dma_wait3A_593] : memref<2x128x384xf32, #tpu.memory_space<vmem>> -> memref<1x128x384xf32, #tpu.memory_space<vmem>>
          %dma_wait3A_595 = tpu.memref_squeeze %dma_wait3A_594 : memref<1x128x384xf32, #tpu.memory_space<vmem>> -> memref<128x384xf32, #tpu.memory_space<vmem>>
          %dma_wait3A_596 = tpu.memref_slice %arg2[%mul3A_588, %mul3A_590] : memref<2048x768xf32, #tpu.memory_space<hbm>> -> memref<128x384xf32, #tpu.memory_space<hbm>>
          %dma_wait3A_597 = tpu.memref_slice %run_scoped3A_7[%rem3A_592] : memref<2x!tpu.dma_semaphore, #tpu.memory_space<semaphore_mem>> -> memref<1x!tpu.dma_semaphore, #tpu.memory_space<semaphore_mem>>
          %dma_wait3A_598 = tpu.memref_squeeze %dma_wait3A_597 : memref<1x!tpu.dma_semaphore, #tpu.memory_space<semaphore_mem>> -> memref<!tpu.dma_semaphore, #tpu.memory_space<semaphore_mem>>
          %dma_wait3A_599 = arith.constant 0 : i32
          %dma_wait3A_600 = arith.constant 0 : i32
          %dma_wait3A_601 = tpu.memref_slice %run_scoped3A[%rem3A_592, %dma_wait3A_599, %dma_wait3A_600] : memref<2x128x384xf32, #tpu.memory_space<vmem>> -> memref<1x128x384xf32, #tpu.memory_space<vmem>>
          %dma_wait3A_602 = tpu.memref_squeeze %dma_wait3A_601 : memref<1x128x384xf32, #tpu.memory_space<vmem>> -> memref<128x384xf32, #tpu.memory_space<vmem>>
          %dma_wait3A_603 = tpu.memref_slice %arg2[%mul3A_588, %mul3A_590] : memref<2048x768xf32, #tpu.memory_space<hbm>> -> memref<128x384xf32, #tpu.memory_space<hbm>>
          tpu.wait_dma2 semaphore(%dma_wait3A_598 : memref<!tpu.dma_semaphore, #tpu.memory_space<semaphore_mem>>) src(%dma_wait3A_603 : memref<128x384xf32, #tpu.memory_space<hbm>>) dst(%dma_wait3A_602 : memref<128x384xf32, #tpu.memory_space<vmem>>)
          "tpu.trace_stop"() : () -> ()
        } else {
        }
        %ne3A_385 = arith.cmpi ne, %add3A_223, %add3A_242 : i32
        %or3A_386 = arith.constant false
        %or3A_387 = arith.ori %or3A_386, %ne3A_385 : i1
        %or3A_388 = arith.ori %or3A_387, %eq3A_219 : i1
        %convert_element_type3A_389 = arith.extui %or3A_388 : i1 to i32
        %cond3A_390 = arith.constant 0 : i32
        %cond3A_391 = arith.cmpi ne, %convert_element_type3A_389, %cond3A_390 : i32
        scf.if %cond3A_391 {
          "tpu.trace_start"() <{level = 10 : i32, message = "ep_wait_in"}> : () -> ()
          %mul3A_571 = arith.constant 128 : i32
          %mul3A_572 = arith.muli %mul3A_571, %add3A_223 : i32
          %rem3A_573 = arith.constant 2 : i32
          %rem3A_574 = arith.remui %scan3A_215, %rem3A_573 : i32
          %dma_wait3A = arith.constant 0 : i32
          %dma_wait3A_575 = arith.constant 0 : i32
          %dma_wait3A_576 = tpu.memref_slice %run_scoped3A_8[%rem3A_574, %dma_wait3A, %dma_wait3A_575] : memref<2x1x128xi32, #tpu.memory_space<vmem>> -> memref<1x1x128xi32, #tpu.memory_space<vmem>>
          %dma_wait3A_577 = tpu.memref_squeeze %dma_wait3A_576 : memref<1x1x128xi32, #tpu.memory_space<vmem>> -> memref<1x128xi32, #tpu.memory_space<vmem>>
          %dma_wait3A_578 = arith.constant 0 : i32
          %dma_wait3A_579 = tpu.memref_slice %arg3[%dma_wait3A_578, %mul3A_572] : memref<1x4096xi32, #tpu.memory_space<hbm>> -> memref<1x128xi32, #tpu.memory_space<hbm>>
          %dma_wait3A_580 = tpu.memref_slice %run_scoped3A_9[%rem3A_574] : memref<2x!tpu.dma_semaphore, #tpu.memory_space<semaphore_mem>> -> memref<1x!tpu.dma_semaphore, #tpu.memory_space<semaphore_mem>>
          %dma_wait3A_581 = tpu.memref_squeeze %dma_wait3A_580 : memref<1x!tpu.dma_semaphore, #tpu.memory_space<semaphore_mem>> -> memref<!tpu.dma_semaphore, #tpu.memory_space<semaphore_mem>>
          %dma_wait3A_582 = arith.constant 0 : i32
          %dma_wait3A_583 = arith.constant 0 : i32
          %dma_wait3A_584 = tpu.memref_slice %run_scoped3A_8[%rem3A_574, %dma_wait3A_582, %dma_wait3A_583] : memref<2x1x128xi32, #tpu.memory_space<vmem>> -> memref<1x1x128xi32, #tpu.memory_space<vmem>>
          %dma_wait3A_585 = tpu.memref_squeeze %dma_wait3A_584 : memref<1x1x128xi32, #tpu.memory_space<vmem>> -> memref<1x128xi32, #tpu.memory_space<vmem>>
          %dma_wait3A_586 = arith.constant 0 : i32
          %dma_wait3A_587 = tpu.memref_slice %arg3[%dma_wait3A_586, %mul3A_572] : memref<1x4096xi32, #tpu.memory_space<hbm>> -> memref<1x128xi32, #tpu.memory_space<hbm>>
          tpu.wait_dma2 semaphore(%dma_wait3A_581 : memref<!tpu.dma_semaphore, #tpu.memory_space<semaphore_mem>>) src(%dma_wait3A_587 : memref<1x128xi32, #tpu.memory_space<hbm>>) dst(%dma_wait3A_585 : memref<1x128xi32, #tpu.memory_space<vmem>>)
          "tpu.trace_stop"() : () -> ()
        } else {
        }
        %rem3A_392 = arith.constant 2 : i32
        %rem3A_393 = arith.remui %scan3A_213, %rem3A_392 : i32
        %rem3A_394 = arith.constant 2 : i32
        %rem3A_395 = arith.remui %scan3A_215, %rem3A_394 : i32
        "tpu.trace_start"() <{level = 10 : i32, message = "ep_run_kernel"}> : () -> ()
        %mul3A_396 = arith.constant 384 : i32
        %mul3A_397 = arith.muli %add3A_225, %mul3A_396 : i32
        %run_scoped3A_398 = arith.constant 0 : i32
        "tpu.region"() ({
          %run_scoped3A_571 = tpu.sem_alloc : memref<!tpu.dma_semaphore, #tpu.memory_space<semaphore_mem>>
          %dma_start3A_572 = arith.constant 0 : i32
          %dma_start3A_573 = arith.constant 0 : i32
          %dma_start3A_574 = tpu.memref_slice %run_scoped3A[%rem3A_393, %dma_start3A_572, %dma_start3A_573] : memref<2x128x384xf32, #tpu.memory_space<vmem>> -> memref<1x128x384xf32, #tpu.memory_space<vmem>>
          %dma_start3A_575 = tpu.memref_squeeze %dma_start3A_574 : memref<1x128x384xf32, #tpu.memory_space<vmem>> -> memref<128x384xf32, #tpu.memory_space<vmem>>
          %dma_start3A_576 = arith.constant 0 : i32
          %dma_start3A_577 = arith.constant 0 : i32
          %dma_start3A_578 = tpu.memref_slice %run_scoped3A_8[%rem3A_395, %dma_start3A_576, %dma_start3A_577] : memref<2x1x128xi32, #tpu.memory_space<vmem>> -> memref<1x1x128xi32, #tpu.memory_space<vmem>>
          %dma_start3A_579 = tpu.memref_squeeze %dma_start3A_578 : memref<1x1x128xi32, #tpu.memory_space<vmem>> -> memref<1x128xi32, #tpu.memory_space<vmem>>
          %dma_start3A_580 = arith.constant 0 : i32
          %dma_start3A_581 = tpu.memref_slice %dma_start3A_579[%run_scoped3A_398, %dma_start3A_580] : memref<1x128xi32, #tpu.memory_space<vmem>> -> memref<1x128xi32, #tpu.memory_space<vmem>>
          %dma_start3A_582 = tpu.memref_squeeze %dma_start3A_581 : memref<1x128xi32, #tpu.memory_space<vmem>> -> memref<128xi32, #tpu.memory_space<vmem>>
          %dma_start3A_583 = arith.constant 0 : i32
          %dma_start3A_584 = tpu.memref_slice %arg4[%dma_start3A_583, %mul3A_397] : memref<5120x768xf32, #tpu.memory_space<hbm>> -> memref<5120x384xf32, #tpu.memory_space<hbm>>
          tpu.enqueue_indirect_dma source(%dma_start3A_575 : memref<128x384xf32, #tpu.memory_space<vmem>>) target(%dma_start3A_584 : memref<5120x384xf32, #tpu.memory_space<hbm>>) offsets(%dma_start3A_582 : memref<128xi32, #tpu.memory_space<vmem>>) semaphore(%run_scoped3A_571 : memref<!tpu.dma_semaphore, #tpu.memory_space<semaphore_mem>>)
          %dma_wait3A = arith.constant 0 : i32
          %dma_wait3A_585 = arith.constant 0 : i32
          %dma_wait3A_586 = tpu.memref_slice %run_scoped3A[%rem3A_393, %dma_wait3A, %dma_wait3A_585] : memref<2x128x384xf32, #tpu.memory_space<vmem>> -> memref<1x128x384xf32, #tpu.memory_space<vmem>>
          %dma_wait3A_587 = tpu.memref_squeeze %dma_wait3A_586 : memref<1x128x384xf32, #tpu.memory_space<vmem>> -> memref<128x384xf32, #tpu.memory_space<vmem>>
          %dma_wait3A_588 = arith.constant 0 : i32
          %dma_wait3A_589 = arith.constant 0 : i32
          %dma_wait3A_590 = tpu.memref_slice %run_scoped3A_8[%rem3A_395, %dma_wait3A_588, %dma_wait3A_589] : memref<2x1x128xi32, #tpu.memory_space<vmem>> -> memref<1x1x128xi32, #tpu.memory_space<vmem>>
          %dma_wait3A_591 = tpu.memref_squeeze %dma_wait3A_590 : memref<1x1x128xi32, #tpu.memory_space<vmem>> -> memref<1x128xi32, #tpu.memory_space<vmem>>
          %dma_wait3A_592 = arith.constant 0 : i32
          %dma_wait3A_593 = tpu.memref_slice %dma_wait3A_591[%run_scoped3A_398, %dma_wait3A_592] : memref<1x128xi32, #tpu.memory_space<vmem>> -> memref<1x128xi32, #tpu.memory_space<vmem>>
          %dma_wait3A_594 = tpu.memref_squeeze %dma_wait3A_593 : memref<1x128xi32, #tpu.memory_space<vmem>> -> memref<128xi32, #tpu.memory_space<vmem>>
          %dma_wait3A_595 = arith.constant 0 : i32
          %dma_wait3A_596 = tpu.memref_slice %arg4[%dma_wait3A_595, %mul3A_397] : memref<5120x768xf32, #tpu.memory_space<hbm>> -> memref<5120x384xf32, #tpu.memory_space<hbm>>
          tpu.wait_indirect_dma semaphore(%run_scoped3A_571 : memref<!tpu.dma_semaphore, #tpu.memory_space<semaphore_mem>>) src(%dma_wait3A_587 : memref<128x384xf32, #tpu.memory_space<vmem>>) dst(%dma_wait3A_596 : memref<5120x384xf32, #tpu.memory_space<hbm>>)
          tpu.yield
        }) : () -> ()
        %jit3A_399 = arith.constant 16 : i32
        "tpu.trace_stop"() : () -> ()
        %eq3A_400 = arith.constant 0 : i32
        %eq3A_401 = arith.cmpi eq, %jit3A_399, %eq3A_400 : i32
        %jit3A_402 = arith.constant 1 : i32
        %select_n3A_403 = arith.select %eq3A_401, %jit3A_402, %jit3A_399 : i32
        %rem3A_404 = arith.remsi %add3A_223, %select_n3A_403 : i32
        %ne3A_405 = arith.constant 0 : i32
        %ne3A_406 = arith.cmpi ne, %rem3A_404, %ne3A_405 : i32
        %lt3A_407 = arith.constant 0 : i32
        %lt3A_408 = arith.cmpi slt, %rem3A_404, %lt3A_407 : i32
        %lt3A_409 = arith.constant 0 : i32
        %lt3A_410 = arith.cmpi slt, %select_n3A_403, %lt3A_409 : i32
        %ne3A_411 = arith.xori %lt3A_408, %lt3A_410 : i1
        %and3A_412 = arith.andi %ne3A_411, %ne3A_406 : i1
        %add3A_413 = arith.addi %rem3A_404, %select_n3A_403 : i32
        %select_n3A_414 = arith.select %and3A_412, %add3A_413, %rem3A_404 : i32
        %jit3A_415 = arith.constant 16 : i32
        %eq3A_416 = arith.constant 0 : i32
        %eq3A_417 = arith.cmpi eq, %jit3A_415, %eq3A_416 : i32
        %jit3A_418 = arith.constant 1 : i32
        %select_n3A_419 = arith.select %eq3A_417, %jit3A_418, %jit3A_415 : i32
        %rem3A_420 = arith.remsi %add3A_261, %select_n3A_419 : i32
        %ne3A_421 = arith.constant 0 : i32
        %ne3A_422 = arith.cmpi ne, %rem3A_420, %ne3A_421 : i32
        %lt3A_423 = arith.constant 0 : i32
        %lt3A_424 = arith.cmpi slt, %rem3A_420, %lt3A_423 : i32
        %lt3A_425 = arith.constant 0 : i32
        %lt3A_426 = arith.cmpi slt, %select_n3A_419, %lt3A_425 : i32
        %ne3A_427 = arith.xori %lt3A_424, %lt3A_426 : i1
        %and3A_428 = arith.andi %ne3A_427, %ne3A_422 : i1
        %add3A_429 = arith.addi %rem3A_420, %select_n3A_419 : i32
        %select_n3A_430 = arith.select %and3A_428, %add3A_429, %rem3A_420 : i32
        %ne3A_431 = arith.cmpi ne, %select_n3A_414, %select_n3A_430 : i32
        %ne3A_432 = arith.cmpi ne, %add3A_225, %add3A_263 : i32
        %or3A_433 = arith.constant false
        %or3A_434 = arith.ori %or3A_433, %ne3A_431 : i1
        %or3A_435 = arith.ori %or3A_434, %ne3A_432 : i1
        %or3A_436 = arith.ori %or3A_435, %eq3A_221 : i1
        %convert_element_type3A_437 = arith.extui %or3A_436 : i1 to i32
        %cond3A_438 = arith.constant 0 : i32
        %cond3A_439 = arith.cmpi ne, %convert_element_type3A_437, %cond3A_438 : i32
        scf.if %cond3A_439 {
        } else {
        }
        %and3A_440 = arith.constant false
        %and3A_441 = arith.andi %or3A_436, %and3A_440 : i1
        %ne3A_442 = arith.cmpi ne, %add3A_223, %add3A_261 : i32
        %or3A_443 = arith.constant false
        %or3A_444 = arith.ori %or3A_443, %ne3A_442 : i1
        %or3A_445 = arith.ori %or3A_444, %eq3A_221 : i1
        %convert_element_type3A_446 = arith.extui %or3A_445 : i1 to i32
        %cond3A_447 = arith.constant 0 : i32
        %cond3A_448 = arith.cmpi ne, %convert_element_type3A_446, %cond3A_447 : i32
        scf.if %cond3A_448 {
        } else {
        }
        %and3A_449 = arith.constant false
        %and3A_450 = arith.andi %or3A_445, %and3A_449 : i1
        %jit3A_451 = arith.constant 16 : i32
        %eq3A_452 = arith.constant 0 : i32
        %eq3A_453 = arith.cmpi eq, %jit3A_451, %eq3A_452 : i32
        %jit3A_454 = arith.constant 1 : i32
        %select_n3A_455 = arith.select %eq3A_453, %jit3A_454, %jit3A_451 : i32
        %rem3A_456 = arith.remsi %add3A_223, %select_n3A_455 : i32
        %ne3A_457 = arith.constant 0 : i32
        %ne3A_458 = arith.cmpi ne, %rem3A_456, %ne3A_457 : i32
        %lt3A_459 = arith.constant 0 : i32
        %lt3A_460 = arith.cmpi slt, %rem3A_456, %lt3A_459 : i32
        %lt3A_461 = arith.constant 0 : i32
        %lt3A_462 = arith.cmpi slt, %select_n3A_455, %lt3A_461 : i32
        %ne3A_463 = arith.xori %lt3A_460, %lt3A_462 : i1
        %and3A_464 = arith.andi %ne3A_463, %ne3A_458 : i1
        %add3A_465 = arith.addi %rem3A_456, %select_n3A_455 : i32
        %select_n3A_466 = arith.select %and3A_464, %add3A_465, %rem3A_456 : i32
        %jit3A_467 = arith.constant 16 : i32
        %eq3A_468 = arith.constant 0 : i32
        %eq3A_469 = arith.cmpi eq, %jit3A_467, %eq3A_468 : i32
        %jit3A_470 = arith.constant 1 : i32
        %select_n3A_471 = arith.select %eq3A_469, %jit3A_470, %jit3A_467 : i32
        %rem3A_472 = arith.remsi %add3A_242, %select_n3A_471 : i32
        %ne3A_473 = arith.constant 0 : i32
        %ne3A_474 = arith.cmpi ne, %rem3A_472, %ne3A_473 : i32
        %lt3A_475 = arith.constant 0 : i32
        %lt3A_476 = arith.cmpi slt, %rem3A_472, %lt3A_475 : i32
        %lt3A_477 = arith.constant 0 : i32
        %lt3A_478 = arith.cmpi slt, %select_n3A_471, %lt3A_477 : i32
        %ne3A_479 = arith.xori %lt3A_476, %lt3A_478 : i1
        %and3A_480 = arith.andi %ne3A_479, %ne3A_474 : i1
        %add3A_481 = arith.addi %rem3A_472, %select_n3A_471 : i32
        %select_n3A_482 = arith.select %and3A_480, %add3A_481, %rem3A_472 : i32
        %ne3A_483 = arith.cmpi ne, %select_n3A_466, %select_n3A_482 : i32
        %ne3A_484 = arith.cmpi ne, %add3A_225, %add3A_244 : i32
        %or3A_485 = arith.constant false
        %or3A_486 = arith.ori %or3A_485, %ne3A_483 : i1
        %or3A_487 = arith.ori %or3A_486, %ne3A_484 : i1
        %not3A_488 = arith.constant true
        %not3A_489 = arith.xori %eq3A_219, %not3A_488 : i1
        %and3A_490 = arith.andi %or3A_487, %not3A_489 : i1
        %convert_element_type3A_491 = arith.extui %and3A_490 : i1 to i32
        %cond3A_492 = arith.constant 0 : i32
        %cond3A_493 = arith.cmpi ne, %convert_element_type3A_491, %cond3A_492 : i32
        scf.if %cond3A_493 {
        } else {
        }
        %and3A_494 = arith.constant false
        %and3A_495 = arith.andi %and3A_490, %and3A_494 : i1
        %ne3A_496 = arith.cmpi ne, %add3A_223, %add3A_242 : i32
        %or3A_497 = arith.constant false
        %or3A_498 = arith.ori %or3A_497, %ne3A_496 : i1
        %not3A_499 = arith.constant true
        %not3A_500 = arith.xori %eq3A_219, %not3A_499 : i1
        %and3A_501 = arith.andi %or3A_498, %not3A_500 : i1
        %convert_element_type3A_502 = arith.extui %and3A_501 : i1 to i32
        %cond3A_503 = arith.constant 0 : i32
        %cond3A_504 = arith.cmpi ne, %convert_element_type3A_502, %cond3A_503 : i32
        scf.if %cond3A_504 {
        } else {
        }
        %and3A_505 = arith.constant false
        %and3A_506 = arith.andi %and3A_501, %and3A_505 : i1
        %jit3A_507 = arith.constant 16 : i32
        %eq3A_508 = arith.constant 0 : i32
        %eq3A_509 = arith.cmpi eq, %jit3A_507, %eq3A_508 : i32
        %jit3A_510 = arith.constant 1 : i32
        %select_n3A_511 = arith.select %eq3A_509, %jit3A_510, %jit3A_507 : i32
        %rem3A_512 = arith.remsi %add3A_223, %select_n3A_511 : i32
        %ne3A_513 = arith.constant 0 : i32
        %ne3A_514 = arith.cmpi ne, %rem3A_512, %ne3A_513 : i32
        %lt3A_515 = arith.constant 0 : i32
        %lt3A_516 = arith.cmpi slt, %rem3A_512, %lt3A_515 : i32
        %lt3A_517 = arith.constant 0 : i32
        %lt3A_518 = arith.cmpi slt, %select_n3A_511, %lt3A_517 : i32
        %ne3A_519 = arith.xori %lt3A_516, %lt3A_518 : i1
        %and3A_520 = arith.andi %ne3A_519, %ne3A_514 : i1
        %add3A_521 = arith.addi %rem3A_512, %select_n3A_511 : i32
        %select_n3A_522 = arith.select %and3A_520, %add3A_521, %rem3A_512 : i32
        %jit3A_523 = arith.constant 16 : i32
        %eq3A_524 = arith.constant 0 : i32
        %eq3A_525 = arith.cmpi eq, %jit3A_523, %eq3A_524 : i32
        %jit3A_526 = arith.constant 1 : i32
        %select_n3A_527 = arith.select %eq3A_525, %jit3A_526, %jit3A_523 : i32
        %rem3A_528 = arith.remsi %add3A_261, %select_n3A_527 : i32
        %ne3A_529 = arith.constant 0 : i32
        %ne3A_530 = arith.cmpi ne, %rem3A_528, %ne3A_529 : i32
        %lt3A_531 = arith.constant 0 : i32
        %lt3A_532 = arith.cmpi slt, %rem3A_528, %lt3A_531 : i32
        %lt3A_533 = arith.constant 0 : i32
        %lt3A_534 = arith.cmpi slt, %select_n3A_527, %lt3A_533 : i32
        %ne3A_535 = arith.xori %lt3A_532, %lt3A_534 : i1
        %and3A_536 = arith.andi %ne3A_535, %ne3A_530 : i1
        %add3A_537 = arith.addi %rem3A_528, %select_n3A_527 : i32
        %select_n3A_538 = arith.select %and3A_536, %add3A_537, %rem3A_528 : i32
        %ne3A_539 = arith.cmpi ne, %select_n3A_522, %select_n3A_538 : i32
        %ne3A_540 = arith.cmpi ne, %add3A_225, %add3A_263 : i32
        %or3A_541 = arith.constant false
        %or3A_542 = arith.ori %or3A_541, %ne3A_539 : i1
        %or3A_543 = arith.ori %or3A_542, %ne3A_540 : i1
        %or3A_544 = arith.ori %or3A_543, %eq3A_221 : i1
        %add3A_545 = arith.constant 1 : i32
        %add3A_546 = arith.addi %scan3A_213, %add3A_545 : i32
        %select_n3A_547 = arith.select %or3A_544, %add3A_546, %scan3A_213 : i32
        %ne3A_548 = arith.cmpi ne, %add3A_223, %add3A_261 : i32
        %or3A_549 = arith.constant false
        %or3A_550 = arith.ori %or3A_549, %ne3A_548 : i1
        %or3A_551 = arith.ori %or3A_550, %eq3A_221 : i1
        %add3A_552 = arith.constant 1 : i32
        %add3A_553 = arith.addi %scan3A_215, %add3A_552 : i32
        %select_n3A_554 = arith.select %or3A_551, %add3A_553, %scan3A_215 : i32
        %add3A_555 = arith.constant 1 : i32
        %add3A_556 = arith.addi %scan3A_217, %add3A_555 : i32
        %select_n3A_557 = arith.constant true
        %select_n3A_558 = arith.select %select_n3A_557, %add3A_556, %scan3A_217 : i32
        %eq3A_559 = arith.constant 2 : i32
        %eq3A_560 = arith.cmpi eq, %select_n3A_558, %eq3A_559 : i32
        %select_n3A_561 = arith.constant 0 : i32
        %select_n3A_562 = arith.select %eq3A_560, %select_n3A_561, %select_n3A_558 : i32
        %select_n3A_563 = arith.constant 0 : i32
        %select_n3A_564 = arith.constant 1 : i32
        %select_n3A_565 = arith.select %eq3A_560, %select_n3A_564, %select_n3A_563 : i32
        %eq3A_566 = arith.constant 1 : i32
        %eq3A_567 = arith.cmpi eq, %select_n3A_565, %eq3A_566 : i32
        %select_n3A_568 = arith.constant 0 : i32
        %select_n3A_569 = arith.select %eq3A_567, %select_n3A_568, %select_n3A_565 : i32
        %scan3A_570 = arith.constant 0 : i32
        scf.yield %select_n3A_327, %select_n3A_547, %select_n3A_343, %select_n3A_554, %scan3A_570, %select_n3A_562 : i32, i32, i32, i32, i32, i32
      }
      %scan3A_135 = arith.constant 2 : i32
      %sub3A = arith.constant 1 : i32
      %sub3A_136 = arith.subi %scan3A_134#5, %sub3A : i32
      %select_n3A_137 = arith.constant true
      %select_n3A_138 = arith.select %select_n3A_137, %sub3A_136, %scan3A_134#5 : i32
      %eq3A_139 = arith.constant -1 : i32
      %eq3A_140 = arith.cmpi eq, %select_n3A_138, %eq3A_139 : i32
      %select_n3A_141 = arith.constant 1 : i32
      %select_n3A_142 = arith.select %eq3A_140, %select_n3A_141, %select_n3A_138 : i32
      %sub3A_143 = arith.constant 1 : i32
      %sub3A_144 = arith.subi %scan3A_134#4, %sub3A_143 : i32
      %select_n3A_145 = arith.select %eq3A_140, %sub3A_144, %scan3A_134#4 : i32
      %eq3A_146 = arith.constant -1 : i32
      %eq3A_147 = arith.cmpi eq, %select_n3A_145, %eq3A_146 : i32
      %select_n3A_148 = arith.constant 0 : i32
      %select_n3A_149 = arith.select %eq3A_147, %select_n3A_148, %select_n3A_145 : i32
      %add3A_150 = arith.constant 0 : i32
      %add3A_151 = arith.addi %add3A_150, %mul3A_6 : i32
      %add3A_152 = arith.constant 0 : i32
      %add3A_153 = arith.addi %select_n3A_142, %add3A_152 : i32
      %sub3A_154 = arith.constant 1 : i32
      %sub3A_155 = arith.subi %select_n3A_142, %sub3A_154 : i32
      %select_n3A_156 = arith.constant true
      %select_n3A_157 = arith.select %select_n3A_156, %sub3A_155, %select_n3A_142 : i32
      %eq3A_158 = arith.constant -1 : i32
      %eq3A_159 = arith.cmpi eq, %select_n3A_157, %eq3A_158 : i32
      %select_n3A_160 = arith.constant 1 : i32
      %select_n3A_161 = arith.select %eq3A_159, %select_n3A_160, %select_n3A_157 : i32
      %select_n3A_162 = arith.constant 0 : i32
      %select_n3A_163 = arith.constant -1 : i32
      %select_n3A_164 = arith.select %eq3A_159, %select_n3A_163, %select_n3A_162 : i32
      %eq3A_165 = arith.constant -1 : i32
      %eq3A_166 = arith.cmpi eq, %select_n3A_164, %eq3A_165 : i32
      %select_n3A_167 = arith.constant 0 : i32
      %select_n3A_168 = arith.select %eq3A_166, %select_n3A_167, %select_n3A_164 : i32
      %add3A_169 = arith.constant 0 : i32
      %add3A_170 = arith.addi %add3A_169, %mul3A_6 : i32
      %add3A_171 = arith.constant 0 : i32
      %add3A_172 = arith.addi %select_n3A_161, %add3A_171 : i32
      %add3A_173 = arith.constant 1 : i32
      %add3A_174 = arith.addi %select_n3A_142, %add3A_173 : i32
      %select_n3A_175 = arith.constant true
      %select_n3A_176 = arith.select %select_n3A_175, %add3A_174, %select_n3A_142 : i32
      %eq3A_177 = arith.constant 2 : i32
      %eq3A_178 = arith.cmpi eq, %select_n3A_176, %eq3A_177 : i32
      %select_n3A_179 = arith.constant 0 : i32
      %select_n3A_180 = arith.select %eq3A_178, %select_n3A_179, %select_n3A_176 : i32
      %select_n3A_181 = arith.constant 0 : i32
      %select_n3A_182 = arith.constant 1 : i32
      %select_n3A_183 = arith.select %eq3A_178, %select_n3A_182, %select_n3A_181 : i32
      %eq3A_184 = arith.constant 1 : i32
      %eq3A_185 = arith.cmpi eq, %select_n3A_183, %eq3A_184 : i32
      %select_n3A_186 = arith.constant 0 : i32
      %select_n3A_187 = arith.select %eq3A_185, %select_n3A_186, %select_n3A_183 : i32
      %add3A_188 = arith.constant 0 : i32
      %add3A_189 = arith.addi %add3A_188, %mul3A_6 : i32
      %add3A_190 = arith.constant 0 : i32
      %add3A_191 = arith.addi %select_n3A_180, %add3A_190 : i32
      %add3A_192 = arith.constant 1 : i32
      %add3A_193 = arith.addi %select_n3A_180, %add3A_192 : i32
      %select_n3A_194 = arith.constant true
      %select_n3A_195 = arith.select %select_n3A_194, %add3A_193, %select_n3A_180 : i32
      %eq3A_196 = arith.constant 2 : i32
      %eq3A_197 = arith.cmpi eq, %select_n3A_195, %eq3A_196 : i32
      %select_n3A_198 = arith.constant 0 : i32
      %select_n3A_199 = arith.select %eq3A_197, %select_n3A_198, %select_n3A_195 : i32
      %select_n3A_200 = arith.constant 0 : i32
      %select_n3A_201 = arith.constant 1 : i32
      %select_n3A_202 = arith.select %eq3A_197, %select_n3A_201, %select_n3A_200 : i32
      %eq3A_203 = arith.constant 1 : i32
      %eq3A_204 = arith.cmpi eq, %select_n3A_202, %eq3A_203 : i32
      %select_n3A_205 = arith.constant 0 : i32
      %select_n3A_206 = arith.select %eq3A_204, %select_n3A_205, %select_n3A_202 : i32
      %add3A_207 = arith.constant 0 : i32
      %add3A_208 = arith.addi %add3A_207, %mul3A_6 : i32
      %add3A_209 = arith.constant 0 : i32
      %add3A_210 = arith.addi %select_n3A_199, %add3A_209 : i32
      tpu.yield
    }) : () -> ()
    return
  }
}

module attributes {stable_mosaic.version = 14 : i64} {
  func.func @_router_body(%arg0: memref<2048x768xf32, #tpu.memory_space<vmem>>, %arg1: memref<768x8xf32, #tpu.memory_space<vmem>>, %arg2: memref<1x8xf32, #tpu.memory_space<vmem>>, %arg3: memref<2048x2xf32, #tpu.memory_space<vmem>>, %arg4: memref<2048x2xi32, #tpu.memory_space<vmem>>, %arg5: memref<64x1xi32, #tpu.memory_space<vmem>>, %arg6: memref<1x1xi32, #tpu.memory_space<vmem>>) attributes {dimension_semantics = [], scalar_prefetch = 0 : i64, scratch_operands = 0 : i64, tpu.core_type = #tpu.core_type<tc>} {
    %get3A = arith.constant 0 : index
    %get3A_0 = arith.constant 0 : index
    %get3A_1 = vector.load %arg0[%get3A, %get3A_0] : memref<2048x768xf32, #tpu.memory_space<vmem>>, vector<2048x768xf32>
    %get3A_2 = arith.constant 0 : index
    %get3A_3 = arith.constant 0 : index
    %get3A_4 = vector.load %arg1[%get3A_2, %get3A_3] : memref<768x8xf32, #tpu.memory_space<vmem>>, vector<768x8xf32>
    %dot_general3A = arith.constant dense<0.000000e+00> : vector<2048x8xf32>
    %dot_general3A_5 = tpu.matmul %get3A_1, %get3A_4, %dot_general3A {dimension_numbers = #tpu.dot_dimension_numbers<[1], [0], [0], [1], [0, 0, 1, 1], [], []>, transpose_lhs_hint = false} : vector<2048x768xf32>, vector<768x8xf32>, vector<2048x8xf32> -> vector<2048x8xf32>
    %get3A_6 = arith.constant 0 : index
    %get3A_7 = arith.constant 0 : index
    %get3A_8 = vector.load %arg2[%get3A_6, %get3A_7] : memref<1x8xf32, #tpu.memory_space<vmem>>, vector<1x8xf32>
    %add3A = vector.broadcast %get3A_8 : vector<1x8xf32> to vector<2048x8xf32>
    %add3A_9 = arith.addf %dot_general3A_5, %add3A : vector<2048x8xf32>
    %iota3A = tpu.iota {dimensions = array<i32: 1>} : vector<2048x8xi32>
    %reduce_max3A = arith.constant dense<0xFF800000> : vector<2048xf32>
    %reduce_max3A_10 = vector.multi_reduction <maximumf>, %add3A_9, %reduce_max3A [1] : vector<2048x8xf32> to vector<2048xf32>
    %broadcast_in_dim3A = vector.shape_cast %reduce_max3A_10 : vector<2048xf32> to vector<2048x1xf32>
    %ge3A = vector.broadcast %broadcast_in_dim3A : vector<2048x1xf32> to vector<2048x8xf32>
    %ge3A_11 = arith.cmpf oge, %add3A_9, %ge3A : vector<2048x8xf32>
    %jit3A = arith.constant 8 : i32
    %broadcast_in_dim3A_12 = vector.broadcast %jit3A : i32 to vector<2048x8xi32>
    %select_n3A = arith.select %ge3A_11, %iota3A, %broadcast_in_dim3A_12 : vector<2048x8xi1>, vector<2048x8xi32>
    %reduce_min3A = arith.constant dense<2147483647> : vector<2048xi32>
    %reduce_min3A_13 = vector.multi_reduction <minsi>, %select_n3A, %reduce_min3A [1] : vector<2048x8xi32> to vector<2048xi32>
    %broadcast_in_dim3A_14 = vector.shape_cast %reduce_min3A_13 : vector<2048xi32> to vector<2048x1xi32>
    %eq3A = vector.broadcast %broadcast_in_dim3A_14 : vector<2048x1xi32> to vector<2048x8xi32>
    %eq3A_15 = arith.cmpi eq, %iota3A, %eq3A : vector<2048x8xi32>
    %jit3A_16 = arith.constant 0xFF800000 : f32
    %broadcast_in_dim3A_17 = vector.broadcast %jit3A_16 : f32 to vector<2048x8xf32>
    %select_n3A_18 = arith.select %eq3A_15, %broadcast_in_dim3A_17, %add3A_9 : vector<2048x8xi1>, vector<2048x8xf32>
    %reduce_max3A_19 = arith.constant dense<0xFF800000> : vector<2048xf32>
    %reduce_max3A_20 = vector.multi_reduction <maximumf>, %select_n3A_18, %reduce_max3A_19 [1] : vector<2048x8xf32> to vector<2048xf32>
    %broadcast_in_dim3A_21 = vector.shape_cast %reduce_max3A_20 : vector<2048xf32> to vector<2048x1xf32>
    %ge3A_22 = vector.broadcast %broadcast_in_dim3A_21 : vector<2048x1xf32> to vector<2048x8xf32>
    %ge3A_23 = arith.cmpf oge, %select_n3A_18, %ge3A_22 : vector<2048x8xf32>
    %jit3A_24 = arith.constant 8 : i32
    %broadcast_in_dim3A_25 = vector.broadcast %jit3A_24 : i32 to vector<2048x8xi32>
    %select_n3A_26 = arith.select %ge3A_23, %iota3A, %broadcast_in_dim3A_25 : vector<2048x8xi1>, vector<2048x8xi32>
    %reduce_min3A_27 = arith.constant dense<2147483647> : vector<2048xi32>
    %reduce_min3A_28 = vector.multi_reduction <minsi>, %select_n3A_26, %reduce_min3A_27 [1] : vector<2048x8xi32> to vector<2048xi32>
    %broadcast_in_dim3A_29 = vector.shape_cast %reduce_min3A_28 : vector<2048xi32> to vector<2048x1xi32>
    %eq3A_30 = vector.broadcast %broadcast_in_dim3A_29 : vector<2048x1xi32> to vector<2048x8xi32>
    %eq3A_31 = arith.cmpi eq, %iota3A, %eq3A_30 : vector<2048x8xi32>
    %sub3A = arith.subf %broadcast_in_dim3A_21, %broadcast_in_dim3A : vector<2048x1xf32>
    %exp3A = math.exp %sub3A : vector<2048x1xf32>
    %add3A_32 = arith.constant 1.000000e+00 : f32
    %add3A_33 = vector.broadcast %add3A_32 : f32 to vector<2048x1xf32>
    %add3A_34 = arith.addf %add3A_33, %exp3A : vector<2048x1xf32>
    %div3A = arith.constant 1.000000e+00 : f32
    %div3A_35 = vector.broadcast %div3A : f32 to vector<2048x1xf32>
    %div3A_36 = arith.divf %div3A_35, %add3A_34 : vector<2048x1xf32>
    %sub3A_37 = arith.constant 1.000000e+00 : f32
    %sub3A_38 = vector.broadcast %sub3A_37 : f32 to vector<2048x1xf32>
    %sub3A_39 = arith.subf %sub3A_38, %div3A_36 : vector<2048x1xf32>
    %concatenate3A = tpu.concatenate %div3A_36, %sub3A_39 in 1 : vector<2048x1xf32>, vector<2048x1xf32> -> vector<2048x2xf32>
    %swap3A = arith.constant 0 : index
    %swap3A_40 = arith.constant 0 : index
    %swap3A_41 = vector.load %arg3[%swap3A, %swap3A_40] : memref<2048x2xf32, #tpu.memory_space<vmem>>, vector<2048x2xf32>
    tpu.vector_store %arg3[%swap3A, %swap3A_40], %concatenate3A {strides = array<i32>} : memref<2048x2xf32, #tpu.memory_space<vmem>>, vector<2048x2xf32>,
    %convert_element_type3A = arith.extui %eq3A_15 : vector<2048x8xi1> to vector<2048x8xi32>
    %convert_element_type3A_42 = arith.sitofp %convert_element_type3A : vector<2048x8xi32> to vector<2048x8xf32>
    %convert_element_type3A_43 = arith.truncf %convert_element_type3A_42 : vector<2048x8xf32> to vector<2048x8xbf16>
    %convert_element_type3A_44 = arith.extui %eq3A_31 : vector<2048x8xi1> to vector<2048x8xi32>
    %convert_element_type3A_45 = arith.sitofp %convert_element_type3A_44 : vector<2048x8xi32> to vector<2048x8xf32>
    %convert_element_type3A_46 = arith.truncf %convert_element_type3A_45 : vector<2048x8xf32> to vector<2048x8xbf16>
    %concatenate3A_47 = tpu.concatenate %convert_element_type3A_43, %convert_element_type3A_46 in 1 : vector<2048x8xbf16>, vector<2048x8xbf16> -> vector<2048x16xbf16>
    %iota3A_48 = tpu.iota {dimensions = array<i32: 0>} : vector<2048x2048xi32>
    %iota3A_49 = tpu.iota {dimensions = array<i32: 1>} : vector<2048x2048xi32>
    %gt3A = arith.cmpi sgt, %iota3A_48, %iota3A_49 : vector<2048x2048xi32>
    %convert_element_type3A_50 = arith.extui %gt3A : vector<2048x2048xi1> to vector<2048x2048xi32>
    %convert_element_type3A_51 = arith.sitofp %convert_element_type3A_50 : vector<2048x2048xi32> to vector<2048x2048xf32>
    %convert_element_type3A_52 = arith.truncf %convert_element_type3A_51 : vector<2048x2048xf32> to vector<2048x2048xbf16>
    %dot_general3A_53 = arith.constant dense<0.000000e+00> : vector<2048x16xf32>
    %dot_general3A_54 = tpu.matmul %convert_element_type3A_52, %concatenate3A_47, %dot_general3A_53 {dimension_numbers = #tpu.dot_dimension_numbers<[1], [0], [0], [1], [0, 0, 1, 1], [], []>, transpose_lhs_hint = false} : vector<2048x2048xbf16>, vector<2048x16xbf16>, vector<2048x16xf32> -> vector<2048x16xf32>
    %slice3A = vector.extract_strided_slice %dot_general3A_54 {offsets = [0, 0], sizes = [2048, 8], strides = [1, 1]} : vector<2048x16xf32> to vector<2048x8xf32>
    %jit3A_55 = arith.constant 0.000000e+00 : f32
    %broadcast_in_dim3A_56 = vector.broadcast %jit3A_55 : f32 to vector<2048x8xf32>
    %select_n3A_57 = arith.select %eq3A_15, %slice3A, %broadcast_in_dim3A_56 : vector<2048x8xi1>, vector<2048x8xf32>
    %reduce_sum3A = arith.constant dense<0.000000e+00> : vector<2048xf32>
    %reduce_sum3A_58 = vector.multi_reduction <add>, %select_n3A_57, %reduce_sum3A [1] : vector<2048x8xf32> to vector<2048xf32>
    %broadcast_in_dim3A_59 = vector.shape_cast %reduce_sum3A_58 : vector<2048xf32> to vector<2048x1xf32>
    %slice3A_60 = vector.extract_strided_slice %dot_general3A_54 {offsets = [0, 8], sizes = [2048, 8], strides = [1, 1]} : vector<2048x16xf32> to vector<2048x8xf32>
    %jit3A_61 = arith.constant 0.000000e+00 : f32
    %broadcast_in_dim3A_62 = vector.broadcast %jit3A_61 : f32 to vector<2048x8xf32>
    %select_n3A_63 = arith.select %eq3A_31, %slice3A_60, %broadcast_in_dim3A_62 : vector<2048x8xi1>, vector<2048x8xf32>
    %reduce_sum3A_64 = arith.constant dense<0.000000e+00> : vector<2048xf32>
    %reduce_sum3A_65 = vector.multi_reduction <add>, %select_n3A_63, %reduce_sum3A_64 [1] : vector<2048x8xf32> to vector<2048xf32>
    %broadcast_in_dim3A_66 = vector.shape_cast %reduce_sum3A_65 : vector<2048xf32> to vector<2048x1xf32>
    %convert_element_type3A_67 = arith.extf %convert_element_type3A_43 : vector<2048x8xbf16> to vector<2048x8xf32>
    %reduce_sum3A_68 = arith.constant dense<0.000000e+00> : vector<8xf32>
    %reduce_sum3A_69 = vector.multi_reduction <add>, %convert_element_type3A_67, %reduce_sum3A_68 [0] : vector<2048x8xf32> to vector<8xf32>
    %broadcast_in_dim3A_70 = vector.shape_cast %reduce_sum3A_69 : vector<8xf32> to vector<1x8xf32>
    %convert_element_type3A_71 = arith.extf %convert_element_type3A_46 : vector<2048x8xbf16> to vector<2048x8xf32>
    %reduce_sum3A_72 = arith.constant dense<0.000000e+00> : vector<8xf32>
    %reduce_sum3A_73 = vector.multi_reduction <add>, %convert_element_type3A_71, %reduce_sum3A_72 [0] : vector<2048x8xf32> to vector<8xf32>
    %broadcast_in_dim3A_74 = vector.shape_cast %reduce_sum3A_73 : vector<8xf32> to vector<1x8xf32>
    %add3A_75 = arith.addf %broadcast_in_dim3A_70, %broadcast_in_dim3A_74 : vector<1x8xf32>
    %jit3A_76 = arith.constant 0.000000e+00 : f32
    %broadcast_in_dim3A_77 = vector.shape_cast %broadcast_in_dim3A_70 : vector<1x8xf32> to vector<1x8xf32>
    %broadcast_in_dim3A_78 = vector.broadcast %broadcast_in_dim3A_77 : vector<1x8xf32> to vector<2048x8xf32>
    %broadcast_in_dim3A_79 = vector.broadcast %jit3A_76 : f32 to vector<2048x8xf32>
    %select_n3A_80 = arith.select %eq3A_31, %broadcast_in_dim3A_78, %broadcast_in_dim3A_79 : vector<2048x8xi1>, vector<2048x8xf32>
    %reduce_sum3A_81 = arith.constant dense<0.000000e+00> : vector<2048xf32>
    %reduce_sum3A_82 = vector.multi_reduction <add>, %select_n3A_80, %reduce_sum3A_81 [1] : vector<2048x8xf32> to vector<2048xf32>
    %broadcast_in_dim3A_83 = vector.shape_cast %reduce_sum3A_82 : vector<2048xf32> to vector<2048x1xf32>
    %add3A_84 = arith.addf %broadcast_in_dim3A_66, %broadcast_in_dim3A_83 : vector<2048x1xf32>
    %add3A_85 = arith.constant 1.270000e+02 : f32
    %add3A_86 = vector.broadcast %add3A_85 : f32 to vector<1x8xf32>
    %add3A_87 = arith.addf %add3A_75, %add3A_86 : vector<1x8xf32>
    %mul3A = arith.constant 7.812500e-03 : f32
    %mul3A_88 = vector.broadcast %mul3A : f32 to vector<1x8xf32>
    %mul3A_89 = arith.mulf %add3A_87, %mul3A_88 : vector<1x8xf32>
    %floor3A = math.floor %mul3A_89 : vector<1x8xf32>
    %iota3A_90 = tpu.iota {dimensions = array<i32: 0>} : vector<8x8xi32>
    %iota3A_91 = tpu.iota {dimensions = array<i32: 1>} : vector<8x8xi32>
    %lt3A = arith.cmpi slt, %iota3A_90, %iota3A_91 : vector<8x8xi32>
    %convert_element_type3A_92 = arith.extui %lt3A : vector<8x8xi1> to vector<8x8xi32>
    %convert_element_type3A_93 = arith.sitofp %convert_element_type3A_92 : vector<8x8xi32> to vector<8x8xf32>
    %convert_element_type3A_94 = arith.truncf %convert_element_type3A_93 : vector<8x8xf32> to vector<8x8xbf16>
    %convert_element_type3A_95 = arith.truncf %floor3A : vector<1x8xf32> to vector<1x8xbf16>
    %dot_general3A_96 = arith.constant dense<0.000000e+00> : vector<1x8xf32>
    %dot_general3A_97 = tpu.matmul %convert_element_type3A_95, %convert_element_type3A_94, %dot_general3A_96 {dimension_numbers = #tpu.dot_dimension_numbers<[1], [0], [0], [1], [0, 0, 1, 1], [], []>, transpose_lhs_hint = false} : vector<1x8xbf16>, vector<8x8xbf16>, vector<1x8xf32> -> vector<1x8xf32>
    %mul3A_98 = arith.constant 1.280000e+02 : f32
    %mul3A_99 = vector.broadcast %mul3A_98 : f32 to vector<1x8xf32>
    %mul3A_100 = arith.mulf %dot_general3A_97, %mul3A_99 : vector<1x8xf32>
    %jit3A_101 = arith.constant 0.000000e+00 : f32
    %broadcast_in_dim3A_102 = vector.shape_cast %mul3A_100 : vector<1x8xf32> to vector<1x8xf32>
    %broadcast_in_dim3A_103 = vector.broadcast %broadcast_in_dim3A_102 : vector<1x8xf32> to vector<2048x8xf32>
    %broadcast_in_dim3A_104 = vector.broadcast %jit3A_101 : f32 to vector<2048x8xf32>
    %select_n3A_105 = arith.select %eq3A_15, %broadcast_in_dim3A_103, %broadcast_in_dim3A_104 : vector<2048x8xi1>, vector<2048x8xf32>
    %reduce_sum3A_106 = arith.constant dense<0.000000e+00> : vector<2048xf32>
    %reduce_sum3A_107 = vector.multi_reduction <add>, %select_n3A_105, %reduce_sum3A_106 [1] : vector<2048x8xf32> to vector<2048xf32>
    %broadcast_in_dim3A_108 = vector.shape_cast %reduce_sum3A_107 : vector<2048xf32> to vector<2048x1xf32>
    %add3A_109 = arith.addf %broadcast_in_dim3A_108, %broadcast_in_dim3A_59 : vector<2048x1xf32>
    %jit3A_110 = arith.constant 0.000000e+00 : f32
    %broadcast_in_dim3A_111 = vector.shape_cast %mul3A_100 : vector<1x8xf32> to vector<1x8xf32>
    %broadcast_in_dim3A_112 = vector.broadcast %broadcast_in_dim3A_111 : vector<1x8xf32> to vector<2048x8xf32>
    %broadcast_in_dim3A_113 = vector.broadcast %jit3A_110 : f32 to vector<2048x8xf32>
    %select_n3A_114 = arith.select %eq3A_31, %broadcast_in_dim3A_112, %broadcast_in_dim3A_113 : vector<2048x8xi1>, vector<2048x8xf32>
    %reduce_sum3A_115 = arith.constant dense<0.000000e+00> : vector<2048xf32>
    %reduce_sum3A_116 = vector.multi_reduction <add>, %select_n3A_114, %reduce_sum3A_115 [1] : vector<2048x8xf32> to vector<2048xf32>
    %broadcast_in_dim3A_117 = vector.shape_cast %reduce_sum3A_116 : vector<2048xf32> to vector<2048x1xf32>
    %add3A_118 = arith.addf %broadcast_in_dim3A_117, %add3A_84 : vector<2048x1xf32>
    %concatenate3A_119 = tpu.concatenate %add3A_109, %add3A_118 in 1 : vector<2048x1xf32>, vector<2048x1xf32> -> vector<2048x2xf32>
    %convert_element_type3A_120 = arith.fptosi %concatenate3A_119 : vector<2048x2xf32> to vector<2048x2xi32>
    %swap3A_121 = arith.constant 0 : index
    %swap3A_122 = arith.constant 0 : index
    %swap3A_123 = vector.load %arg4[%swap3A_121, %swap3A_122] : memref<2048x2xi32, #tpu.memory_space<vmem>>, vector<2048x2xi32>
    tpu.vector_store %arg4[%swap3A_121, %swap3A_122], %convert_element_type3A_120 {strides = array<i32>} : memref<2048x2xi32, #tpu.memory_space<vmem>>, vector<2048x2xi32>,
    %iota3A_124 = tpu.iota {dimensions = array<i32: 0>} : vector<64x8xi32>
    %convert_element_type3A_125 = arith.fptosi %dot_general3A_97 : vector<1x8xf32> to vector<1x8xi32>
    %broadcast_in_dim3A_126 = vector.shape_cast %convert_element_type3A_125 : vector<1x8xi32> to vector<1x8xi32>
    %broadcast_in_dim3A_127 = vector.broadcast %broadcast_in_dim3A_126 : vector<1x8xi32> to vector<64x8xi32>
    %ge3A_128 = arith.cmpi sge, %iota3A_124, %broadcast_in_dim3A_127 : vector<64x8xi32>
    %convert_element_type3A_129 = arith.extui %ge3A_128 : vector<64x8xi1> to vector<64x8xi32>
    %reduce_sum3A_130 = arith.constant dense<0> : vector<64xi32>
    %reduce_sum3A_131 = vector.multi_reduction <add>, %convert_element_type3A_129, %reduce_sum3A_130 [1] : vector<64x8xi32> to vector<64xi32>
    %broadcast_in_dim3A_132 = vector.shape_cast %reduce_sum3A_131 : vector<64xi32> to vector<64x1xi32>
    %sub3A_133 = arith.constant 1 : i32
    %sub3A_134 = vector.broadcast %sub3A_133 : i32 to vector<64x1xi32>
    %sub3A_135 = arith.subi %broadcast_in_dim3A_132, %sub3A_134 : vector<64x1xi32>
    %swap3A_136 = arith.constant 0 : index
    %swap3A_137 = arith.constant 0 : index
    %swap3A_138 = vector.load %arg5[%swap3A_136, %swap3A_137] : memref<64x1xi32, #tpu.memory_space<vmem>>, vector<64x1xi32>
    tpu.vector_store %arg5[%swap3A_136, %swap3A_137], %sub3A_135 {strides = array<i32>} : memref<64x1xi32, #tpu.memory_space<vmem>>, vector<64x1xi32>,
    %reduce_sum3A_139 = arith.constant dense<0.000000e+00> : vector<1xf32>
    %reduce_sum3A_140 = vector.multi_reduction <add>, %floor3A, %reduce_sum3A_139 [1] : vector<1x8xf32> to vector<1xf32>
    %broadcast_in_dim3A_141 = vector.shape_cast %reduce_sum3A_140 : vector<1xf32> to vector<1x1xf32>
    %convert_element_type3A_142 = arith.fptosi %broadcast_in_dim3A_141 : vector<1x1xf32> to vector<1x1xi32>
    %swap3A_143 = arith.constant 0 : index
    %swap3A_144 = arith.constant 0 : index
    %swap3A_145 = vector.load %arg6[%swap3A_143, %swap3A_144] : memref<1x1xi32, #tpu.memory_space<vmem>>, vector<1x1xi32>
    tpu.vector_store %arg6[%swap3A_143, %swap3A_144], %convert_element_type3A_142 {strides = array<i32>} : memref<1x1xi32, #tpu.memory_space<vmem>>, vector<1x1xi32>,
    return
  }
}

module attributes {stable_mosaic.version = 14 : i64} {
  func.func @_ffn_body(%arg0: i32, %arg1: memref<64xi32, #tpu.memory_space<smem>>, %arg2: memref<1xi32, #tpu.memory_space<smem>>, %arg3: memref<128x768xf32, #tpu.memory_space<vmem>>, %arg4: memref<1x768x3072xbf16, #tpu.memory_space<vmem>>, %arg5: memref<1x1x3072xf32, #tpu.memory_space<vmem>>, %arg6: memref<1x3072x768xbf16, #tpu.memory_space<vmem>>, %arg7: memref<1x1x768xf32, #tpu.memory_space<vmem>>, %arg8: memref<128x768xf32, #tpu.memory_space<vmem>>) attributes {dimension_semantics = [#tpu.dimension_semantics<arbitrary>], iteration_bounds = array<i64: 40>, scalar_prefetch = 2 : i64, scratch_operands = 0 : i64, tpu.core_type = #tpu.core_type<tc>, window_params = [{transform_indices = @transform_0, window_bounds = array<i64: 128, 768>}, {transform_indices = @transform_1, window_bounds = array<i64: 1, 768, 3072>}, {transform_indices = @transform_2, window_bounds = array<i64: 1, 1, 3072>}, {transform_indices = @transform_3, window_bounds = array<i64: 1, 3072, 768>}, {transform_indices = @transform_4, window_bounds = array<i64: 1, 1, 768>}, {transform_indices = @transform_5, window_bounds = array<i64: 128, 768>}]} {
    %get3A = arith.constant 0 : index
    %get3A_0 = memref.load %arg2[%get3A] : memref<1xi32, #tpu.memory_space<smem>>
    %lt3A = arith.cmpi slt, %arg0, %get3A_0 : i32
    %convert_element_type3A = arith.extui %lt3A : i1 to i32
    %cond3A = arith.constant 0 : i32
    %cond3A_1 = arith.cmpi ne, %convert_element_type3A, %cond3A : i32
    scf.if %cond3A_1 {
      %get3A_2 = arith.constant 0 : index
      %get3A_3 = arith.constant 0 : index
      %get3A_4 = vector.load %arg3[%get3A_2, %get3A_3] : memref<128x768xf32, #tpu.memory_space<vmem>>, vector<128x768xf32>
      %convert_element_type3A_5 = arith.truncf %get3A_4 : vector<128x768xf32> to vector<128x768xbf16>
      %get3A_6 = arith.constant 0 : index
      %get3A_7 = arith.constant 0 : index
      %get3A_8 = arith.constant 0 : index
      %get3A_9 = vector.load %arg4[%get3A_6, %get3A_7, %get3A_8] : memref<1x768x3072xbf16, #tpu.memory_space<vmem>>, vector<1x768x3072xbf16>
      %get3A_10 = vector.shape_cast %get3A_9 : vector<1x768x3072xbf16> to vector<768x3072xbf16>
      %dot_general3A = arith.constant dense<0.000000e+00> : vector<128x3072xf32>
      %dot_general3A_11 = tpu.matmul %convert_element_type3A_5, %get3A_10, %dot_general3A {dimension_numbers = #tpu.dot_dimension_numbers<[1], [0], [0], [1], [0, 0, 1, 1], [], []>, transpose_lhs_hint = false} : vector<128x768xbf16>, vector<768x3072xbf16>, vector<128x3072xf32> -> vector<128x3072xf32>
      %get3A_12 = arith.constant 0 : index
      %get3A_13 = arith.constant 0 : index
      %get3A_14 = arith.constant 0 : index
      %get3A_15 = vector.load %arg5[%get3A_12, %get3A_13, %get3A_14] : memref<1x1x3072xf32, #tpu.memory_space<vmem>>, vector<1x1x3072xf32>
      %get3A_16 = vector.shape_cast %get3A_15 : vector<1x1x3072xf32> to vector<1x3072xf32>
      %add3A = vector.broadcast %get3A_16 : vector<1x3072xf32> to vector<128x3072xf32>
      %add3A_17 = arith.addf %dot_general3A_11, %add3A : vector<128x3072xf32>
      %mul3A = arith.constant 5.000000e-01 : f32
      %mul3A_18 = vector.broadcast %mul3A : f32 to vector<128x3072xf32>
      %mul3A_19 = arith.mulf %mul3A_18, %add3A_17 : vector<128x3072xf32>
      %mul3A_20 = arith.constant 0.707106769 : f32
      %mul3A_21 = vector.broadcast %mul3A_20 : f32 to vector<128x3072xf32>
      %mul3A_22 = arith.mulf %add3A_17, %mul3A_21 : vector<128x3072xf32>
      %erf3A = math.erf %mul3A_22 : vector<128x3072xf32>
      %add3A_23 = arith.constant 1.000000e+00 : f32
      %add3A_24 = vector.broadcast %add3A_23 : f32 to vector<128x3072xf32>
      %add3A_25 = arith.addf %add3A_24, %erf3A : vector<128x3072xf32>
      %mul3A_26 = arith.mulf %mul3A_19, %add3A_25 : vector<128x3072xf32>
      %convert_element_type3A_27 = arith.truncf %mul3A_26 : vector<128x3072xf32> to vector<128x3072xbf16>
      %get3A_28 = arith.constant 0 : index
      %get3A_29 = arith.constant 0 : index
      %get3A_30 = arith.constant 0 : index
      %get3A_31 = vector.load %arg6[%get3A_28, %get3A_29, %get3A_30] : memref<1x3072x768xbf16, #tpu.memory_space<vmem>>, vector<1x3072x768xbf16>
      %get3A_32 = vector.shape_cast %get3A_31 : vector<1x3072x768xbf16> to vector<3072x768xbf16>
      %dot_general3A_33 = arith.constant dense<0.000000e+00> : vector<128x768xf32>
      %dot_general3A_34 = tpu.matmul %convert_element_type3A_27, %get3A_32, %dot_general3A_33 {dimension_numbers = #tpu.dot_dimension_numbers<[1], [0], [0], [1], [0, 0, 1, 1], [], []>, transpose_lhs_hint = false} : vector<128x3072xbf16>, vector<3072x768xbf16>, vector<128x768xf32> -> vector<128x768xf32>
      %get3A_35 = arith.constant 0 : index
      %get3A_36 = arith.constant 0 : index
      %get3A_37 = arith.constant 0 : index
      %get3A_38 = vector.load %arg7[%get3A_35, %get3A_36, %get3A_37] : memref<1x1x768xf32, #tpu.memory_space<vmem>>, vector<1x1x768xf32>
      %get3A_39 = vector.shape_cast %get3A_38 : vector<1x1x768xf32> to vector<1x768xf32>
      %add3A_40 = vector.broadcast %get3A_39 : vector<1x768xf32> to vector<128x768xf32>
      %add3A_41 = arith.addf %dot_general3A_34, %add3A_40 : vector<128x768xf32>
      %swap3A = arith.constant 0 : index
      %swap3A_42 = arith.constant 0 : index
      %swap3A_43 = vector.load %arg8[%swap3A, %swap3A_42] : memref<128x768xf32, #tpu.memory_space<vmem>>, vector<128x768xf32>
      tpu.vector_store %arg8[%swap3A, %swap3A_42], %add3A_41 {strides = array<i32>} : memref<128x768xf32, #tpu.memory_space<vmem>>, vector<128x768xf32>,
    } else {
    }
    return
  }
  func.func @transform_0(%arg0: i32, %arg1: memref<64xi32, #tpu.memory_space<smem>>, %arg2: memref<1xi32, #tpu.memory_space<smem>>) -> (i32, i32) {
    %c0_i32 = arith.constant 0 : i32
    %c0_i32_0 = arith.constant 0 : i32
    return %arg0, %c0_i32 : i32, i32
  }
  func.func @transform_1(%arg0: i32, %arg1: memref<64xi32, #tpu.memory_space<smem>>, %arg2: memref<1xi32, #tpu.memory_space<smem>>) -> (i32, i32, i32) {
    %get3A = arith.index_cast %arg0 : i32 to index
    %get3A_0 = memref.load %arg1[%get3A] : memref<64xi32, #tpu.memory_space<smem>>
    %c0_i32 = arith.constant 0 : i32
    %c0_i32_1 = arith.constant 0 : i32
    %c0_i32_2 = arith.constant 0 : i32
    return %get3A_0, %c0_i32, %c0_i32_1 : i32, i32, i32
  }
  func.func @transform_2(%arg0: i32, %arg1: memref<64xi32, #tpu.memory_space<smem>>, %arg2: memref<1xi32, #tpu.memory_space<smem>>) -> (i32, i32, i32) {
    %get3A = arith.index_cast %arg0 : i32 to index
    %get3A_0 = memref.load %arg1[%get3A] : memref<64xi32, #tpu.memory_space<smem>>
    %c0_i32 = arith.constant 0 : i32
    %c0_i32_1 = arith.constant 0 : i32
    %c0_i32_2 = arith.constant 0 : i32
    return %get3A_0, %c0_i32, %c0_i32_1 : i32, i32, i32
  }
  func.func @transform_3(%arg0: i32, %arg1: memref<64xi32, #tpu.memory_space<smem>>, %arg2: memref<1xi32, #tpu.memory_space<smem>>) -> (i32, i32, i32) {
    %get3A = arith.index_cast %arg0 : i32 to index
    %get3A_0 = memref.load %arg1[%get3A] : memref<64xi32, #tpu.memory_space<smem>>
    %c0_i32 = arith.constant 0 : i32
    %c0_i32_1 = arith.constant 0 : i32
    %c0_i32_2 = arith.constant 0 : i32
    return %get3A_0, %c0_i32, %c0_i32_1 : i32, i32, i32
  }
  func.func @transform_4(%arg0: i32, %arg1: memref<64xi32, #tpu.memory_space<smem>>, %arg2: memref<1xi32, #tpu.memory_space<smem>>) -> (i32, i32, i32) {
    %get3A = arith.index_cast %arg0 : i32 to index
    %get3A_0 = memref.load %arg1[%get3A] : memref<64xi32, #tpu.memory_space<smem>>
    %c0_i32 = arith.constant 0 : i32
    %c0_i32_1 = arith.constant 0 : i32
    %c0_i32_2 = arith.constant 0 : i32
    return %get3A_0, %c0_i32, %c0_i32_1 : i32, i32, i32
  }
  func.func @transform_5(%arg0: i32, %arg1: memref<64xi32, #tpu.memory_space<smem>>, %arg2: memref<1xi32, #tpu.memory_space<smem>>) -> (i32, i32) {
    %c0_i32 = arith.constant 0 : i32
    %c0_i32_0 = arith.constant 0 : i32
    return %arg0, %c0_i32 : i32, i32
  }
}

module attributes {stable_mosaic.version = 14 : i64} {
  func.func @_combine_body(%arg0: i32, %arg1: memref<256x768xf32, #tpu.memory_space<vmem>>, %arg2: memref<256x768xf32, #tpu.memory_space<vmem>>, %arg3: memref<256x2xf32, #tpu.memory_space<vmem>>, %arg4: memref<256x768xf32, #tpu.memory_space<vmem>>) attributes {dimension_semantics = [#tpu.dimension_semantics<arbitrary>], iteration_bounds = array<i64: 8>, scalar_prefetch = 0 : i64, scratch_operands = 0 : i64, tpu.core_type = #tpu.core_type<tc>, window_params = [{transform_indices = @transform_0, window_bounds = array<i64: 256, 768>}, {transform_indices = @transform_1, window_bounds = array<i64: 256, 768>}, {transform_indices = @transform_2, window_bounds = array<i64: 256, 2>}, {transform_indices = @transform_3, window_bounds = array<i64: 256, 768>}]} {
    %get3A = arith.constant 0 : index
    %get3A_0 = arith.constant 0 : index
    %get3A_1 = vector.load %arg3[%get3A, %get3A_0] : memref<256x2xf32, #tpu.memory_space<vmem>>, vector<256x1xf32>
    %get3A_2 = arith.constant 0 : index
    %get3A_3 = arith.constant 0 : index
    %get3A_4 = vector.load %arg1[%get3A_2, %get3A_3] : memref<256x768xf32, #tpu.memory_space<vmem>>, vector<256x768xf32>
    %mul3A = vector.broadcast %get3A_1 : vector<256x1xf32> to vector<256x768xf32>
    %mul3A_5 = arith.mulf %mul3A, %get3A_4 : vector<256x768xf32>
    %get3A_6 = arith.constant 0 : index
    %get3A_7 = arith.constant 1 : index
    %get3A_8 = vector.load %arg3[%get3A_6, %get3A_7] : memref<256x2xf32, #tpu.memory_space<vmem>>, vector<256x1xf32>
    %get3A_9 = arith.constant 0 : index
    %get3A_10 = arith.constant 0 : index
    %get3A_11 = vector.load %arg2[%get3A_9, %get3A_10] : memref<256x768xf32, #tpu.memory_space<vmem>>, vector<256x768xf32>
    %mul3A_12 = vector.broadcast %get3A_8 : vector<256x1xf32> to vector<256x768xf32>
    %mul3A_13 = arith.mulf %mul3A_12, %get3A_11 : vector<256x768xf32>
    %add3A = arith.addf %mul3A_5, %mul3A_13 : vector<256x768xf32>
    %swap3A = arith.constant 0 : index
    %swap3A_14 = arith.constant 0 : index
    %swap3A_15 = vector.load %arg4[%swap3A, %swap3A_14] : memref<256x768xf32, #tpu.memory_space<vmem>>, vector<256x768xf32>
    tpu.vector_store %arg4[%swap3A, %swap3A_14], %add3A {strides = array<i32>} : memref<256x768xf32, #tpu.memory_space<vmem>>, vector<256x768xf32>,
    return
  }
  func.func @transform_0(%arg0: i32) -> (i32, i32) {
    %c0_i32 = arith.constant 0 : i32
    %c0_i32_0 = arith.constant 0 : i32
    return %arg0, %c0_i32 : i32, i32
  }
  func.func @transform_1(%arg0: i32) -> (i32, i32) {
    %add3A = arith.constant 8 : i32
    %add3A_0 = arith.addi %arg0, %add3A : i32
    %c0_i32 = arith.constant 0 : i32
    %c0_i32_1 = arith.constant 0 : i32
    return %add3A_0, %c0_i32 : i32, i32
  }
  func.func @transform_2(%arg0: i32) -> (i32, i32) {
    %c0_i32 = arith.constant 0 : i32
    %c0_i32_0 = arith.constant 0 : i32
    return %arg0, %c0_i32 : i32, i32
  }
  func.func @transform_3(%arg0: i32) -> (i32, i32) {
    %c0_i32 = arith.constant 0 : i32
    %c0_i32_0 = arith.constant 0 : i32
    return %arg0, %c0_i32 : i32, i32
  }
}

</mosaic_0001>

<sc_bundles>
// kernel: kernel.10.cloned.1.call-start
scs
__scs_entry_jumppad:
0x0: {  	(pc) =	sbr.rel $0x88, $3  }
0x1: {  	(tag) =	ssettag $0x0;
	lr =	simm.s32 $0x1  }
0x2: {  	[smem:$0x3F9A] =	sst lr;
	_ =	strace $0xD0000000  }
0x3: {  	_ = 	snop  }
0x4: {  	_ = 	snop  }
0x5: {  	_ = 	snop  }
0x6: {  	_ = 	snop  }
0x7: {  	_ = 	snop  }
__scs_overlays_trampoline_lowered:
0x8: {  	[smem:$0x3FA9] =	sst s0  }
0x9: {  	[smem:$0x3FAA] =	sst s1  }
0xa: {  	[smem:$0x3FAB] =	sst s2  }
0xb: {  	[smem:$0x3FAC] =	sst s3  }
0xc: {  	[smem:$0x3FAD] =	sst s4  }
0xd: {  	[smem:$0x3FAE] =	sst s5  }
0xe: {  	[smem:$0x3FAF] =	sst s6  }
0xf: {  	[smem:$0x3FB0] =	sst s7  }
0x10: {  	[smem:$0x3FB1] =	sst s8  }
0x11: {  	[smem:$0x3FB2] =	sst s9;
	s0 =	simm.s32 @!p0 $0x0  }
0x12: {  	s1 =	sld [smem:$0x3F98];
	s0 =	simm.s32 @p0 $0x1  }
0x13: {  	[smem:$0x3FB3] =	sst s0;
	s0 =	simm.s32 @!p1 $0x0  }
0x14: {  	s2 =	sld [smem:$0x3F97];
	s0 =	simm.s32 @p1 $0x1  }
0x15: {  	[smem:$0x3FB4] =	sst s0;
	s0 =	simm.s32 @!p2 $0x0  }
0x16: {  	s3 =	sld [smem:$0x3FDB];
	s0 =	simm.s32 @p2 $0x1  }
0x17: {  	s4 =	simm.s32 $0x1BF5;
	[smem:$0x3FB6] =	sst s0  }
0x18: {  	s0 =	sld [smem:$0x3F99];
	_ =	swait.ge [sflag:s4], $0x0  }
0x19: {  	s7 =	sld [smem:$0x3F9A]  }
0x1a: {  	s8 =	sadd.s32 $0xFFFFE003, lr  }
0x1b: {  	s9 =	sadd.s32 $0xFFFFFEF7, lr;
	s5 =	simm.s32 $0xFFFFFFFF;
	p2 =	slt.u32 s8, $0xFFFFF086  }
0x1c: {  	p1 =	slt.u32 s9, $0xF7A;
	s5 =	simm.s32 @!p2 $0x0  }
0x1d: {  	s5 =	simm.s32 @p1 $0x1;
	p0 =	seq.s32 s7, s2  }
0x1e: {  	s7 =	smul.u32 @!p0 $0xF7A, s2;
	p2 =	seq.s32 @!p0 s5, $0x0  }
0x1f: {  	s9 =	smul.u32 $0xF7A, s1;
	s8 =	simm.s32 @!p0 $0x1BF5;
	p2 =	por !p2, p0  }
0x20: {  	[sflag:s8] =	ssyncset.s32 @!p0 $0xFFFFF086;
	s6 =	sadd.s32 @!p0 s3, s7;
	s7 =	simm.s32 @!p0 $0x108  }
0x21: {  	s3 =	sadd.s32 s3, s9;
	s6 =	sadd.s32 @!p0 $0x88, s6;
	s7 =	simm.s32 @p2 $0x1082  }
0x22: {  	[simem:s7], [sflag:s8] =	dma.local @!p0 [hbm:s6], $0xF7A  }
0x23: {  	s9 =	sor.u32 $0xD0000000, s2;
	s6 =	simm.s32 $0x108;
	_ =	swait.ge @!p0 [sflag:s8], $0x0  }
0x24: {  	s3 =	sadd.s32 $0x88, s3;
	s6 =	simm.s32 @!p1 $0x1082;
	[sflag:s4] =	ssyncset.s32 $0xFFFFF086  }
0x25: {  	[simem:s6], [sflag:s4] =	dma.local [hbm:s3], $0xF7A  }
0x26: {  	[smem:$0x3F9A] =	sst s1;
	(tag) =	ssettag s2;
	_ =	strace s9  }
0x27: {  	s1 =	sld [smem:$0x3FAA]  }
0x28: {  	s2 =	sld [smem:$0x3FAB]  }
0x29: {  	s4 =	sld [smem:$0x3FAD]  }
0x2a: {  	p0 =	seq.s32 s5, $0x0;
	s5 =	sld [smem:$0x3FAE]  }
0x2b: {  	s6 =	sld [smem:$0x3FAF]  }
0x2c: {  	s7 =	sld [smem:$0x3FB0]  }
0x2d: {  	s3 =	simm.s32 $0x108;
	s8 =	sld [smem:$0x3FB1]  }
0x2e: {  	s3 =	simm.s32 @!p0 $0x1082;
	s9 =	sld [smem:$0x3FB2]  }
0x2f: {  	lr =	sadd.s32 s0, s3;
	s0 =	sld [smem:$0x3FA9]  }
0x30: {  	s3 =	sld [smem:$0x3FAC]  }
0x31: {  	[smem:$0x3FB5] =	sst s10  }
0x32: {  	s10 =	sld [smem:$0x3FB3];
	_ =	sdelay $0x3  }
0x33: {  	p0 =	seq.s32 s10, $0x1;
	s10 =	sld [smem:$0x3FB5];
	_ =	sdelay $0x3  }
0x34: {  	[smem:$0x3FB5] =	sst s10  }
0x35: {  	s10 =	sld [smem:$0x3FB4];
	_ =	sdelay $0x3  }
0x36: {  	p1 =	seq.s32 s10, $0x1;
	s10 =	sld [smem:$0x3FB5];
	_ =	sdelay $0x3  }
0x37: {  	[smem:$0x3FB5] =	sst s10  }
0x38: {  	s10 =	sld [smem:$0x3FB6]  }
0x39: {  	_ = 	snop;
	(pc) =	sbr.ind lr, $3  }
0x3a: {  	_ = 	snop  }
0x3b: {  	_ = 	snop  }
0x3c: {  	p2 =	seq.s32 s10, $0x1;
	s10 =	sld [smem:$0x3FB5]  }
0x3d: {  	_ =	shalt  }
0x3e: {  	_ =	shalt  }
0x3f: {  	_ =	shalt  }
0x40: {  	_ =	shalt  }
0x41: {  	_ =	shalt  }
0x42: {  	_ =	shalt  }
0x43: {  	_ =	shalt  }
0x44: {  	_ =	shalt  }
0x45: {  	_ =	shalt  }
0x46: {  	_ =	shalt  }
0x47: {  	_ =	shalt  }
0x48: {  	_ =	shalt  }
0x49: {  	_ =	shalt  }
0x4a: {  	_ =	shalt  }
0x4b: {  	_ =	shalt  }
0x4c: {  	_ =	shalt  }
0x4d: {  	_ =	shalt  }
0x4e: {  	_ =	shalt  }
0x4f: {  	_ =	shalt  }
0x50: {  	_ =	shalt  }
0x51: {  	_ =	shalt  }
0x52: {  	_ =	shalt  }
0x53: {  	_ =	shalt  }
0x54: {  	_ =	shalt  }
0x55: {  	_ =	shalt  }
0x56: {  	_ =	shalt  }
0x57: {  	_ =	shalt  }
0x58: {  	_ =	shalt  }
0x59: {  	_ =	shalt  }
0x5a: {  	_ =	shalt  }
0x5b: {  	_ =	shalt  }
0x5c: {  	_ =	shalt  }
0x5d: {  	_ =	shalt  }
0x5e: {  	_ =	shalt  }
0x5f: {  	_ =	shalt  }
0x60: {  	_ =	shalt  }
0x61: {  	_ =	shalt  }
0x62: {  	_ =	shalt  }
0x63: {  	_ =	shalt  }
0x64: {  	_ =	shalt  }
0x65: {  	_ =	shalt  }
0x66: {  	_ =	shalt  }
0x67: {  	_ =	shalt  }
0x68: {  	_ =	shalt  }
0x69: {  	_ =	shalt  }
0x6a: {  	_ =	shalt  }
0x6b: {  	_ =	shalt  }
0x6c: {  	_ =	shalt  }
0x6d: {  	_ =	shalt  }
0x6e: {  	_ =	shalt  }
0x6f: {  	_ =	shalt  }
0x70: {  	_ =	shalt  }
0x71: {  	_ =	shalt  }
0x72: {  	_ =	shalt  }
0x73: {  	_ =	shalt  }
0x74: {  	_ =	shalt  }
0x75: {  	_ =	shalt  }
0x76: {  	_ =	shalt  }
0x77: {  	_ =	shalt  }
0x78: {  	_ =	shalt  }
0x79: {  	_ =	shalt  }
0x7a: {  	_ =	shalt  }
0x7b: {  	_ =	shalt  }
0x7c: {  	_ =	shalt  }
0x7d: {  	_ =	shalt  }
0x7e: {  	_ =	shalt  }
0x7f: {  	_ =	shalt  }
0x80: {  	_ =	shalt  }
0x81: {  	_ =	shalt  }
0x82: {  	_ =	shalt  }
0x83: {  	_ =	shalt  }
0x84: {  	_ =	shalt  }
0x85: {  	_ =	shalt  }
0x86: {  	_ =	shalt  }
0x87: {  	_ =	shalt  }
.Lfunc_end0:
.L_simem_size_0:
called_computation.1_lowered:
.L_overlay_start_0:
0x88: {  	s2 =	sld [smem:$0x3FD9]  }
0x89: {  	s3 =	sld [smem:$0x3FFE];
	_ =	sdelay $0x1  }
0x8a: {  	s1 =	srdreg.scid  }
0x8b: {  	s0 =	sand.u32 $0x1, s1  }
0x8c: {  	s17 =	sshll.u32 s0, $0xA;
	s2 =	sadd.s32 s3, s2  }
0x8d: {  	s2 =	sadd.s32 s2, s17  }
0x8e: {  	[smem:$0x3FC1] =	sst s2  }
0x8f: {  	_ = 	snop  }
0x90: {  	s2 =	sld [smem:$0x3FD0];
	(tm) =	ssettm $0x1  }
0x91: {  	s18 =	sld [smem:$0x3FFB];
	_ =	sdelay $0x3  }
0x92: {  	_ =	strace s18  }
0x93: {  	s3 =	sld [smem:$0x3FFC];
	_ =	sdelay $0x3  }
0x94: {  	_ =	strace s3  }
0x95: {  	s3 =	sld [smem:$0x3FFD];
	_ =	sdelay $0x3  }
0x96: {  	_ =	strace s3  }
0x97: {  	_ =	strace $0x8FFFFFFF  }
0x98: {  	s19 =	sld [smem:$0x3FDB];
	_ =	sdelay $0x1  }
0x99: {  	s4 =	simm.s32 $_scs_section_size  }
0x9a: {  	s5 =	simm.s32 $_size__tile_overlayer_lowered;
	s6 =	simm.s32 $_tile_overlayer_lowered  }
0x9b: {  	s22 =	simm.s32 $0x1BFF;
	s21 =	sshll.u32 s6, $0x1;
	s3 =	sadd.s32 s4, s19  }
0x9c: {  	s7 =	simm.s32 $0x0;
	s20 =	sshll.u32 s5, $0x1;
	s5 =	sadd.s32 s21, s3  }
0x9d: {  	[timem:s7], [sflag:s22] =	dma.local [hbm:s5], s20  }
0x9e: {  	_ =	swait.ge [sflag:s22], s20  }
0x9f: {  	s4 =	ssub.s32 $0x0, s20;
	[sflag:s22] =	ssyncset.done $0x0  }
0xa0: {  	[sflag:s22] =	ssyncadd.s32 s4;
	_ =	sdelay $0x1  }
0xa1: {  	s23 =	simm.s32 $0x1B8B  }
0xa2: {  	_ =	swait.ge [sflag:s23], $0x1  }
0xa3: {  	[sflag:s23] =	ssyncset.done $0x0  }
0xa4: {  	s25 =	simm.s32 $0x1B8E;
	s24 =	sld [smem:$0x3FFE];
	[sflag:s23] =	ssyncadd.s32 $0xFFFFFFFF  }
0xa5: {  	s26 =	simm.s32 $execute0_lowered;
	[smem:$0x3FD2] =	sst s25  }
0xa6: {  	s5 =	sshll.u32 s26, $0x1;
	_ =	strace $0x8000004E;
	[dreg:$0x1] =	wrdreg $0xFFFFFFFF  }
0xa7: {  	s28 =	simm.s32 $_size_execute0_lowered;
	s3 =	sadd.s32 s3, s5;
	[dreg:$0x0] =	wrdreg $0x0  }
0xa8: {  	s5 =	sshll.u32 s28, $0x1;
	[dreg:$0x2] =	wrdreg s3  }
0xa9: {  	[dreg:$0x3] =	wrdreg s5  }
0xaa: {  	[dreg:$0x4] =	wrdreg $0xC0  }
0xab: {  	_ =	task [dreg:s7], $0x5FFFF  }
0xac: {  	[dreg:$0x1] =	wrdreg $0xFFFFFFFF  }
0xad: {  	[dreg:$0x0] =	wrdreg $0x60  }
0xae: {  	[dreg:$0x2] =	wrdreg s24  }
0xaf: {  	[dreg:$0x3] =	wrdreg s2  }
0xb0: {  	[dreg:$0x4] =	wrdreg $0x9  }
0xb1: {  	_ =	task.clear_ibuf [dreg:s7], $0x5FFFF;
	_ =	strace $0x9000004E  }
0xb2: {  	s29 =	simm.s32 $0x9;
	_ =	strace $0x80000056  }
0xb3: {  	_ =	swait.ge [sflag:s29], $0x1  }
0xb4: {  	[sflag:s29] =	ssyncadd.s32 $0xFFFFFFFF  }
0xb5: {  	_ =	strace $0x90000056  }
0xb6: {  	_ =	sfence  }
0xb7: {  	s30 =	sld [smem:$0x0];
	_ =	sdelay $0x2  }
0xb8: {  	s31 =	sshll.u32 s1, $0xD;
	s1 =	sshrl.u32 s1, $0x2  }
0xb9: {  	s3 =	sand.u32 $0x4000, s31;
	s1 =	sadd.s32 s1, s30  }
0xba: {  	s0 =	sor.u32 s3, s0;
	s1 =	sshll.u32 s1, $0x11  }
0xbb: {  	s0 =	sor.u32 s1, s0  }
0xbc: {  	s0 =	sadd.s32 $0x8F2B, s0  }
0xbd: {  	[sflag:s0] =	ssyncadd.remote.s32 $0x1  }
0xbe: {  	_ =	sfence.sel $0xFFFF  }
0xbf: {  	[dreg:$0x0] =	wrdreg $0xFFFFFFFF;
	(pc) =	sbr.abs _section_cstart, $3  }
0xc0: {  	[dreg:$0x1] =	wrdreg $0xFFFFFFFF  }
0xc1: {  	_ =	task.clear_ibuf [dreg:s7], $0x2FFFF;
	_ =	strace $0x9FFFFFFF  }
0xc2: {  	(tm) =	ssettm $0x7FFFFFFF  }
0xc3: {  	_ =	shalt  }
tec
execute0_lowered:
.L_overlay_start_1:
0x0: {  	(tag) =	ssettag $0x1  }
0x1: {  	s4 =	rddreg [dreg:$0x0]  }
0x2: {  	s5 =	rddreg [dreg:$0x1]  }
0x3: {  	s0 =	rddreg [dreg:$0x2]  }
0x4: {  	s1 =	simm.s32 $0x0;
	s2 =	srdreg.scid;
	s10 =	simm.s32 $0x0  }
0x5: {  	[smem:$0x7FF] =	sst s1;
	s6 =	sand.u32 $0x1, s2;
	s3 =	sadd.s32 $0x1200, s4  }
.Ltmp0:
0x6: {  	s2 =	stileid.u32;
	s4 =	sadd.s32 $0x79200, s4;
	(pc) =	sbr.rel .LBB2_1-.Ltmp0, $4  }
0x7: {  	s7 =	ssub.s32 $0x2, s6;
	s6 =	sshll.u32 s6, $0x8;
	s9 =	sshll.u32 s2, $0x4  }
0x8: {  	v2 =	vlaneseq.u32;
	_ =	strace $0x8000004F;
	s8 =	sshrl.u32 s7, $0x1;
	s6 =	sor.u32 s9, s6  }
0x9: {  	vm0 =	vmmov $0xffff;
	vm1 =	vmmov $0xff;
	v1 =	vshrl.u32 v2, $0x3;
	s9 =	simm.s32 $0x4;
	s7 =	ssub.s32 s7, s8;
	s5 =	sadd.s32 s5, s6  }
0xa: {  	v0 =	vand.u32 $0x7, v2;
	v2 =	vor.u32 $0x8, v2;
	v1 =	vmul.u32 $0x8, v1;
	s6 =	smul.u32 $0x1800, s6;
	s8 =	simm.s32 $0x5;
	s7 =	smax.u32 s7, $0x1  }
.LBB2_4:
0xb: {  	s11 =	sand.u32 $0x1, s11  }
0xc: {  	_ =	strace $0x80000054;
	s11 =	sadd.s32 $0x3, s11  }
0xd: {  	_ =	swait.ge [sflag:s11], $0xC000  }
0xe: {  	[sflag:s11] =	ssyncset.done $0x0  }
0xf: {  	s10 =	sadd.s32 $0x1, s10;
	[sflag:s11] =	ssyncadd.s32 $0xFFFF4000  }
0x10: {  	p0 =	sne.s32 s10, s7;
	_ =	strace $0x90000054  }
.Ltmp1:
0x11: {  	_ =	strace $0x80000055;
	(pc) =	sbr.rel @!p0 .LBB2_5-.Ltmp1, $4  }
0x12: {  	_ =	swait.ge [sflag:s9], $0xC000  }
0x13: {  	[sflag:s9] =	ssyncset.done $0x0  }
0x14: {  	[sflag:s9] =	ssyncadd.s32 $0xFFFF4000  }
0x15: {  	_ =	strace $0x90000055  }
.LBB2_1:
0x16: {  	_ =	strace $0x80000050;
	p0 =	por $0x0, $0x0;
	p1 =	por $0x1, $0x1  }
0x17: {  	s23 =	simm.s32 $0x0;
	s11 =	simm.s32 $0x0;
	s14 =	simm.s32 $0x0  }
0x18: {  	[tilespmem:s1], [sflag:$0x1] =	stream.linear.gather [hbm4b:s5+s1], $0x80, $0x200038;
	[tilespmem:$0x18100] =	vst v63  }
0x19: {  	s12 =	simm.s32 $0x0;
	s13 =	simm.s32 $0x0;
	_ =	strace $0x90000050  }
.LBB2_2:
0x1a: {  	s15 =	sand.u32 @p1 $0x1, s12  }
0x1b: {  	_ =	strace @p1 $0x80000051;
	s15 =	sadd.s32 @p1 $0x1, s15  }
0x1c: {  	_ =	swait.ge @p1 [sflag:s15], $0x80  }
0x1d: {  	[sflag:s15] =	ssyncset.done @p1 $0x0  }
0x1e: {  	[sflag:s15] =	ssyncadd.s32 @p1 $0xFFFFFF80  }
0x1f: {  	s29 =	sshll.u32 s12, $0x7;
	_ =	strace @p1 $0x90000051  }
0x20: {  	s20 =	sand.u32 $0x80, s29;
	_ =	strace $0x80000052  }
0x21: {  	v3 =	vld [tilespmem:s20+$0x0];
	_ =	sdelay $0x4  }
0x22: {  	v4 =	vshrl.u32 v3, $0x3  }
0x23: {  	v4 =	vmul.u32 $0x30, v4  }
0x24: {  	v3 =	vand.u32 $0x7, v3  }
0x25: {  	v3 =	vor.u32 v3, v4  }
0x26: {  	v4 =	vperm.xlane v3, v0;
	_ =	sdelay $0x1  }
0x27: {  	s17 =	smul.u32 $0xC00, s23;
	s15 =	sand.u32 $0x1, s14;
	v4 =	vadd.s32 v1, v4  }
0x28: {  	s16 =	smul.u32 $0x30000, s15  }
0x29: {  	v3 =	vperm.xlane v3, v2  }
0x2a: {  	s21 =	sshrl.u32 s17, $0x3;
	s19 =	sshrl.u32 s16, $0x2  }
0x2b: {  	s21 =	sadd.s32 s3, s21;
	s16 =	sor.u32 $0x100, s19;
	v3 =	vadd.s32 v1, v3  }
0x2c: {  	[tilespmem:s16], [sflag:$0x5] =	stream.indirect_vreg.gather [hbm4b:s21+s1], $0x80, v4, vm0, $0x2000b8;
	[tilespmem:$0x18100] =	vst v63  }
0x2d: {  	s22 =	sadd.s32 $0x100, s21;
	s30 =	sor.u32 $0x900, s19  }
0x2e: {  	[tilespmem:s30], [sflag:$0x5] =	stream.indirect_vreg.gather [hbm4b:s22+s1], $0x80, v4, vm1, $0x2000b8;
	[tilespmem:$0x18100] =	vst v63  }
0x2f: {  	s31 =	sor.u32 $0xD00, s19  }
0x30: {  	[tilespmem:s31], [sflag:$0x5] =	stream.indirect_vreg.gather [hbm4b:s21+s1], $0x80, v3, vm0, $0x2000b8;
	[tilespmem:$0x18100] =	vst v63  }
0x31: {  	s24 =	sor.u32 $0x1500, s19  }
0x32: {  	[tilespmem:s24], [sflag:$0x5] =	stream.indirect_vreg.gather [hbm4b:s22+s1], $0x80, v3, vm1, $0x2000b8;
	[tilespmem:$0x18100] =	vst v63  }
0x33: {  	v3 =	vld [tilespmem:s20+$0x10];
	_ =	sdelay $0x4  }
0x34: {  	v57 =	vshrl.u32 v3, $0x3  }
0x35: {  	v4 =	vmul.u32 $0x30, v57  }
0x36: {  	v3 =	vand.u32 $0x7, v3  }
0x37: {  	v3 =	vor.u32 v3, v4  }
0x38: {  	v4 =	vperm.xlane v3, v0;
	_ =	sdelay $0x1  }
0x39: {  	v4 =	vadd.s32 v1, v4;
	_ =	sdelay $0x1  }
0x3a: {  	v3 =	vperm.xlane v3, v2;
	_ =	sdelay $0x1  }
0x3b: {  	s25 =	sor.u32 $0x1900, s19;
	v3 =	vadd.s32 v1, v3  }
0x3c: {  	[tilespmem:s25], [sflag:$0x5] =	stream.indirect_vreg.gather [hbm4b:s21+s1], $0x80, v4, vm0, $0x2000b8;
	[tilespmem:$0x18100] =	vst v63  }
0x3d: {  	s26 =	sor.u32 $0x2100, s19  }
0x3e: {  	[tilespmem:s26], [sflag:$0x5] =	stream.indirect_vreg.gather [hbm4b:s22+s1], $0x80, v4, vm1, $0x2000b8;
	[tilespmem:$0x18100] =	vst v63  }
0x3f: {  	s28 =	sor.u32 $0x2500, s19  }
0x40: {  	[tilespmem:s28], [sflag:$0x5] =	stream.indirect_vreg.gather [hbm4b:s21+s1], $0x80, v3, vm0, $0x2000b8;
	[tilespmem:$0x18100] =	vst v63  }
0x41: {  	s29 =	sor.u32 $0x2D00, s19  }
0x42: {  	[tilespmem:s29], [sflag:$0x5] =	stream.indirect_vreg.gather [hbm4b:s22+s1], $0x80, v3, vm1, $0x2000b8;
	[tilespmem:$0x18100] =	vst v63  }
0x43: {  	v3 =	vld [tilespmem:s20+$0x20];
	_ =	sdelay $0x4  }
0x44: {  	v58 =	vshrl.u32 v3, $0x3  }
0x45: {  	v4 =	vmul.u32 $0x30, v58  }
0x46: {  	v3 =	vand.u32 $0x7, v3  }
0x47: {  	v3 =	vor.u32 v3, v4  }
0x48: {  	v4 =	vperm.xlane v3, v0;
	_ =	sdelay $0x1  }
0x49: {  	v4 =	vadd.s32 v1, v4;
	_ =	sdelay $0x1  }
0x4a: {  	v3 =	vperm.xlane v3, v2;
	_ =	sdelay $0x1  }
0x4b: {  	s30 =	sor.u32 $0x3100, s19;
	v3 =	vadd.s32 v1, v3  }
0x4c: {  	[tilespmem:s30], [sflag:$0x5] =	stream.indirect_vreg.gather [hbm4b:s21+s1], $0x80, v4, vm0, $0x2000b8;
	[tilespmem:$0x18100] =	vst v63  }
0x4d: {  	s31 =	sor.u32 $0x3900, s19  }
0x4e: {  	[tilespmem:s31], [sflag:$0x5] =	stream.indirect_vreg.gather [hbm4b:s22+s1], $0x80, v4, vm1, $0x2000b8;
	[tilespmem:$0x18100] =	vst v63  }
0x4f: {  	s24 =	sor.u32 $0x3D00, s19  }
0x50: {  	[tilespmem:s24], [sflag:$0x5] =	stream.indirect_vreg.gather [hbm4b:s21+s1], $0x80, v3, vm0, $0x2000b8;
	[tilespmem:$0x18100] =	vst v63  }
0x51: {  	s25 =	sadd.s32 $0x4500, s19  }
0x52: {  	[tilespmem:s25], [sflag:$0x5] =	stream.indirect_vreg.gather [hbm4b:s22+s1], $0x80, v3, vm1, $0x2000b8;
	[tilespmem:$0x18100] =	vst v63  }
0x53: {  	v3 =	vld [tilespmem:s20+$0x30];
	_ =	sdelay $0x4  }
0x54: {  	v59 =	vshrl.u32 v3, $0x3  }
0x55: {  	v4 =	vmul.u32 $0x30, v59  }
0x56: {  	v3 =	vand.u32 $0x7, v3  }
0x57: {  	v3 =	vor.u32 v3, v4  }
0x58: {  	v4 =	vperm.xlane v3, v0;
	_ =	sdelay $0x1  }
0x59: {  	v4 =	vadd.s32 v1, v4;
	_ =	sdelay $0x1  }
0x5a: {  	v3 =	vperm.xlane v3, v2;
	_ =	sdelay $0x1  }
0x5b: {  	s26 =	sadd.s32 $0x4900, s19;
	v3 =	vadd.s32 v1, v3  }
0x5c: {  	[tilespmem:s26], [sflag:$0x5] =	stream.indirect_vreg.gather [hbm4b:s21+s1], $0x80, v4, vm0, $0x2000b8;
	[tilespmem:$0x18100] =	vst v63  }
0x5d: {  	s28 =	sadd.s32 $0x5100, s19  }
0x5e: {  	[tilespmem:s28], [sflag:$0x5] =	stream.indirect_vreg.gather [hbm4b:s22+s1], $0x80, v4, vm1, $0x2000b8;
	[tilespmem:$0x18100] =	vst v63  }
0x5f: {  	s29 =	sadd.s32 $0x5500, s19  }
0x60: {  	[tilespmem:s29], [sflag:$0x5] =	stream.indirect_vreg.gather [hbm4b:s21+s1], $0x80, v3, vm0, $0x2000b8;
	[tilespmem:$0x18100] =	vst v63  }
0x61: {  	s30 =	sadd.s32 $0x5D00, s19  }
0x62: {  	[tilespmem:s30], [sflag:$0x5] =	stream.indirect_vreg.gather [hbm4b:s22+s1], $0x80, v3, vm1, $0x2000b8;
	[tilespmem:$0x18100] =	vst v63  }
0x63: {  	v3 =	vld [tilespmem:s20+$0x40];
	_ =	sdelay $0x4  }
0x64: {  	v60 =	vshrl.u32 v3, $0x3  }
0x65: {  	v4 =	vmul.u32 $0x30, v60  }
0x66: {  	v3 =	vand.u32 $0x7, v3  }
0x67: {  	v3 =	vor.u32 v3, v4  }
0x68: {  	v4 =	vperm.xlane v3, v0;
	_ =	sdelay $0x1  }
0x69: {  	v4 =	vadd.s32 v1, v4;
	_ =	sdelay $0x1  }
0x6a: {  	v3 =	vperm.xlane v3, v2;
	_ =	sdelay $0x1  }
0x6b: {  	s31 =	sadd.s32 $0x6100, s19;
	v3 =	vadd.s32 v1, v3  }
0x6c: {  	[tilespmem:s31], [sflag:$0x5] =	stream.indirect_vreg.gather [hbm4b:s21+s1], $0x80, v4, vm0, $0x2000b8;
	[tilespmem:$0x18100] =	vst v63  }
0x6d: {  	s24 =	sadd.s32 $0x6900, s19  }
0x6e: {  	[tilespmem:s24], [sflag:$0x5] =	stream.indirect_vreg.gather [hbm4b:s22+s1], $0x80, v4, vm1, $0x2000b8;
	[tilespmem:$0x18100] =	vst v63  }
0x6f: {  	s25 =	sadd.s32 $0x6D00, s19  }
0x70: {  	[tilespmem:s25], [sflag:$0x5] =	stream.indirect_vreg.gather [hbm4b:s21+s1], $0x80, v3, vm0, $0x2000b8;
	[tilespmem:$0x18100] =	vst v63  }
0x71: {  	s26 =	sadd.s32 $0x7500, s19  }
0x72: {  	[tilespmem:s26], [sflag:$0x5] =	stream.indirect_vreg.gather [hbm4b:s22+s1], $0x80, v3, vm1, $0x2000b8;
	[tilespmem:$0x18100] =	vst v63  }
0x73: {  	v3 =	vld [tilespmem:s20+$0x50];
	_ =	sdelay $0x4  }
0x74: {  	v61 =	vshrl.u32 v3, $0x3  }
0x75: {  	v4 =	vmul.u32 $0x30, v61  }
0x76: {  	v3 =	vand.u32 $0x7, v3  }
0x77: {  	v3 =	vor.u32 v3, v4  }
0x78: {  	v4 =	vperm.xlane v3, v0;
	_ =	sdelay $0x1  }
0x79: {  	v4 =	vadd.s32 v1, v4;
	_ =	sdelay $0x1  }
0x7a: {  	v3 =	vperm.xlane v3, v2;
	_ =	sdelay $0x1  }
0x7b: {  	s28 =	sadd.s32 $0x7900, s19;
	v3 =	vadd.s32 v1, v3  }
0x7c: {  	[tilespmem:s28], [sflag:$0x5] =	stream.indirect_vreg.gather [hbm4b:s21+s1], $0x80, v4, vm0, $0x2000b8;
	[tilespmem:$0x18100] =	vst v63  }
0x7d: {  	s29 =	sadd.s32 $0x8100, s19  }
0x7e: {  	[tilespmem:s29], [sflag:$0x5] =	stream.indirect_vreg.gather [hbm4b:s22+s1], $0x80, v4, vm1, $0x2000b8;
	[tilespmem:$0x18100] =	vst v63  }
0x7f: {  	s30 =	sadd.s32 $0x8500, s19  }
0x80: {  	[tilespmem:s30], [sflag:$0x5] =	stream.indirect_vreg.gather [hbm4b:s21+s1], $0x80, v3, vm0, $0x2000b8;
	[tilespmem:$0x18100] =	vst v63  }
0x81: {  	s31 =	sadd.s32 $0x8D00, s19  }
0x82: {  	[tilespmem:s31], [sflag:$0x5] =	stream.indirect_vreg.gather [hbm4b:s22+s1], $0x80, v3, vm1, $0x2000b8;
	[tilespmem:$0x18100] =	vst v63  }
0x83: {  	v3 =	vld [tilespmem:s20+$0x60];
	_ =	sdelay $0x4  }
0x84: {  	v62 =	vshrl.u32 v3, $0x3  }
0x85: {  	v4 =	vmul.u32 $0x30, v62  }
0x86: {  	v3 =	vand.u32 $0x7, v3  }
0x87: {  	v3 =	vor.u32 v3, v4  }
0x88: {  	v4 =	vperm.xlane v3, v0;
	_ =	sdelay $0x1  }
0x89: {  	v4 =	vadd.s32 v1, v4;
	_ =	sdelay $0x1  }
0x8a: {  	v3 =	vperm.xlane v3, v2;
	_ =	sdelay $0x1  }
0x8b: {  	s24 =	sadd.s32 $0x9100, s19;
	v3 =	vadd.s32 v1, v3  }
0x8c: {  	[tilespmem:s24], [sflag:$0x5] =	stream.indirect_vreg.gather [hbm4b:s21+s1], $0x80, v4, vm0, $0x2000b8;
	[tilespmem:$0x18100] =	vst v63  }
0x8d: {  	s25 =	sadd.s32 $0x9900, s19  }
0x8e: {  	[tilespmem:s25], [sflag:$0x5] =	stream.indirect_vreg.gather [hbm4b:s22+s1], $0x80, v4, vm1, $0x2000b8;
	[tilespmem:$0x18100] =	vst v63  }
0x8f: {  	s26 =	sadd.s32 $0x9D00, s19  }
0x90: {  	[tilespmem:s26], [sflag:$0x5] =	stream.indirect_vreg.gather [hbm4b:s21+s1], $0x80, v3, vm0, $0x2000b8;
	[tilespmem:$0x18100] =	vst v63  }
0x91: {  	s28 =	sadd.s32 $0xA500, s19  }
0x92: {  	[tilespmem:s28], [sflag:$0x5] =	stream.indirect_vreg.gather [hbm4b:s22+s1], $0x80, v3, vm1, $0x2000b8;
	[tilespmem:$0x18100] =	vst v63  }
0x93: {  	v3 =	vld [tilespmem:s20+$0x70];
	_ =	sdelay $0x4  }
0x94: {  	v63 =	vshrl.u32 v3, $0x3  }
0x95: {  	v4 =	vmul.u32 $0x30, v63  }
0x96: {  	v3 =	vand.u32 $0x7, v3  }
0x97: {  	v3 =	vor.u32 v3, v4  }
0x98: {  	v4 =	vperm.xlane v3, v0;
	_ =	sdelay $0x1  }
0x99: {  	v4 =	vadd.s32 v1, v4;
	_ =	sdelay $0x1  }
0x9a: {  	s18 =	smov.u32 s23;
	v3 =	vperm.xlane v3, v2  }
0x9b: {  	s23 =	sadd.s32 $0x1, s18  }
0x9c: {  	p2 =	seq.s32 s23, $0x2;
	s29 =	sadd.s32 $0xA900, s19;
	v3 =	vadd.s32 v1, v3  }
0x9d: {  	[tilespmem:s29], [sflag:$0x5] =	stream.indirect_vreg.gather [hbm4b:s21+s1], $0x80, v4, vm0, $0x2000b8;
	[tilespmem:$0x18100] =	vst v63  }
0x9e: {  	s23 =	simm.s32 @p2 $0x0;
	s30 =	sadd.s32 $0xB100, s19  }
0x9f: {  	[tilespmem:s30], [sflag:$0x5] =	stream.indirect_vreg.gather [hbm4b:s22+s1], $0x80, v4, vm1, $0x2000b8;
	[tilespmem:$0x18100] =	vst v63  }
0xa0: {  	p3 =	por !p0, !p0;
	p2 =	seq.s32 s18, s23;
	s31 =	sadd.s32 $0xB500, s19  }
0xa1: {  	[tilespmem:s31], [sflag:$0x5] =	stream.indirect_vreg.gather [hbm4b:s21+s1], $0x80, v3, vm0, $0x2000b8;
	[tilespmem:$0x18100] =	vst v63  }
0xa2: {  	p2 =	por !p3, !p2;
	s19 =	sadd.s32 $0xBD00, s19  }
0xa3: {  	[tilespmem:s19], [sflag:$0x5] =	stream.indirect_vreg.gather [hbm4b:s22+s1], $0x80, v3, vm1, $0x2000b8;
	[tilespmem:$0x18100] =	vst v63  }
0xa4: {  	p2 =	por !p2, !p2;
	_ =	swait.ge [sflag:s8], $0xC000  }
0xa5: {  	s17 =	sadd.s32 @!p2 s6, s17;
	p1 =	por p2, p1;
	[sflag:s8] =	ssyncset.done $0x0  }
.Ltmp2:
0xa6: {  	s15 =	sadd.s32 @!p2 $0x3, s15;
	[sflag:s8] =	ssyncadd.s32 $0xFFFF4000;
	(pc) =	sbr.rel @!p1 .LBB2_4-.Ltmp2, $4  }
0xa7: {  	s18 =	simm.s32 @!p2 $0xC00;
	s17 =	sshrl.u32 @!p2 s17, $0x3;
	_ =	strace $0x90000052  }
0xa8: {  	s17 =	sadd.s32 @!p2 s4, s17;
	s19 =	simm.s32 @!p2 $0x1800;
	_ =	strace @!p2 $0x80000053  }
0xa9: {  	[hbm4b:s17+s18] =	stream.strided.scatter @!p2 [tilespmem:s16], [sflag:s15], $0xC000, s19, s18, $0x200038;
	[tilespmem:$0x18100] =	vst v63  }
0xaa: {  	_ =	strace @!p2 $0x90000053  }
.Ltmp3:
0xab: {  	(pc) =	sbr.rel .LBB2_2-.Ltmp3, $4  }
0xac: {  	s15 =	simm.s32 $0x1  }
0xad: {  	s16 =	sadd.s32 @!p2 $0x1, s14;
	s11 =	sadd.s32 s13, s11;
	s13 =	simm.s32 $0x1  }
0xae: {  	p1 =	por $0x0, $0x0;
	s15 =	simm.s32 @!p0 $0x0;
	s16 =	smov.u32 @p2 s14  }
0xaf: {  	p0 =	por $0x1, $0x1;
	s12 =	sadd.s32 s15, s12;
	s14 =	smov.u32 s16  }
.LBB2_5:
0xb0: {  	_ =	sfence.sel $0x180000  }
0xb1: {  	[bflag:$0x0] =	sbarrier.arrive $0xFFFF  }
0xb2: {  	p0 =	sne.s32 s2, $0x0;
	_ =	strace $0x9000004F  }
0xb3: {  	s0 =	sadd.s32 @!p0 $0x100000, s0;
	[bflag:$0x2] =	sbarrier.arrive $0xFFFF  }
0xb4: {  	[sflag:s0] =	ssyncadd.tile.s32 @!p0 $0x1;
	_ =	shalt  }
.Lfunc_end2:
_tile_overlayer_lowered:
.L_overlay_start_2:
0xb5: {  	(tag) =	ssettag $0x2  }
0xb6: {  	s0 =	rddreg [dreg:$0x0];
	s2 =	stileid.u32  }
0xb7: {  	s1 =	rddreg [dreg:$0x1];
	p0 =	sne.s32 s2, $0x0  }
0xb8: {  	s3 =	rddreg [dreg:$0x2];
	[bflag:$0x3] =	sbarrier.arrive $0xFFFF;
	s2 =	simm.s32 @!p0 $0x1C01  }
0xb9: {  	[timem:s3], [sflag:s2] =	dma.local @!p0 [hbm:s0], s1  }
0xba: {  	s0 =	simm.s32 @!p0 $0x1  }
0xbb: {  	_ =	swait.ge @!p0 [sflag:s0], s1  }
0xbc: {  	s1 =	ssub.s32 @!p0 $0x0, s1;
	[sflag:s0] =	ssyncset.done @!p0 $0x0  }
0xbd: {  	[sflag:s0] =	ssyncadd.s32 @!p0 s1  }
0xbe: {  	[bflag:$0x3] =	sbarrier.arrive $0xFFFF  }
0xbf: {  	_ =	shalt  }

// kernel: kernel.7.cloned.1.call-start
scs
__scs_entry_jumppad:
0x0: {  	(pc) =	sbr.rel $0x88, $3  }
0x1: {  	(tag) =	ssettag $0x0;
	lr =	simm.s32 $0x1  }
0x2: {  	[smem:$0x3F9A] =	sst lr;
	_ =	strace $0xD0000000  }
0x3: {  	_ = 	snop  }
0x4: {  	_ = 	snop  }
0x5: {  	_ = 	snop  }
0x6: {  	_ = 	snop  }
0x7: {  	_ = 	snop  }
__scs_overlays_trampoline_lowered:
0x8: {  	[smem:$0x3FA9] =	sst s0  }
0x9: {  	[smem:$0x3FAA] =	sst s1  }
0xa: {  	[smem:$0x3FAB] =	sst s2  }
0xb: {  	[smem:$0x3FAC] =	sst s3  }
0xc: {  	[smem:$0x3FAD] =	sst s4  }
0xd: {  	[smem:$0x3FAE] =	sst s5  }
0xe: {  	[smem:$0x3FAF] =	sst s6  }
0xf: {  	[smem:$0x3FB0] =	sst s7  }
0x10: {  	[smem:$0x3FB1] =	sst s8  }
0x11: {  	[smem:$0x3FB2] =	sst s9;
	s0 =	simm.s32 @!p0 $0x0  }
0x12: {  	s1 =	sld [smem:$0x3F98];
	s0 =	simm.s32 @p0 $0x1  }
0x13: {  	[smem:$0x3FB3] =	sst s0;
	s0 =	simm.s32 @!p1 $0x0  }
0x14: {  	s2 =	sld [smem:$0x3F97];
	s0 =	simm.s32 @p1 $0x1  }
0x15: {  	[smem:$0x3FB4] =	sst s0;
	s0 =	simm.s32 @!p2 $0x0  }
0x16: {  	s3 =	sld [smem:$0x3FDB];
	s0 =	simm.s32 @p2 $0x1  }
0x17: {  	s4 =	simm.s32 $0x1BF5;
	[smem:$0x3FB6] =	sst s0  }
0x18: {  	s0 =	sld [smem:$0x3F99];
	_ =	swait.ge [sflag:s4], $0x0  }
0x19: {  	s7 =	sld [smem:$0x3F9A]  }
0x1a: {  	s8 =	sadd.s32 $0xFFFFE003, lr  }
0x1b: {  	s9 =	sadd.s32 $0xFFFFFEF7, lr;
	s5 =	simm.s32 $0xFFFFFFFF;
	p2 =	slt.u32 s8, $0xFFFFF086  }
0x1c: {  	p1 =	slt.u32 s9, $0xF7A;
	s5 =	simm.s32 @!p2 $0x0  }
0x1d: {  	s5 =	simm.s32 @p1 $0x1;
	p0 =	seq.s32 s7, s2  }
0x1e: {  	s7 =	smul.u32 @!p0 $0xF7A, s2;
	p2 =	seq.s32 @!p0 s5, $0x0  }
0x1f: {  	s9 =	smul.u32 $0xF7A, s1;
	s8 =	simm.s32 @!p0 $0x1BF5;
	p2 =	por !p2, p0  }
0x20: {  	[sflag:s8] =	ssyncset.s32 @!p0 $0xFFFFF086;
	s6 =	sadd.s32 @!p0 s3, s7;
	s7 =	simm.s32 @!p0 $0x108  }
0x21: {  	s3 =	sadd.s32 s3, s9;
	s6 =	sadd.s32 @!p0 $0x88, s6;
	s7 =	simm.s32 @p2 $0x1082  }
0x22: {  	[simem:s7], [sflag:s8] =	dma.local @!p0 [hbm:s6], $0xF7A  }
0x23: {  	s9 =	sor.u32 $0xD0000000, s2;
	s6 =	simm.s32 $0x108;
	_ =	swait.ge @!p0 [sflag:s8], $0x0  }
0x24: {  	s3 =	sadd.s32 $0x88, s3;
	s6 =	simm.s32 @!p1 $0x1082;
	[sflag:s4] =	ssyncset.s32 $0xFFFFF086  }
0x25: {  	[simem:s6], [sflag:s4] =	dma.local [hbm:s3], $0xF7A  }
0x26: {  	[smem:$0x3F9A] =	sst s1;
	(tag) =	ssettag s2;
	_ =	strace s9  }
0x27: {  	s1 =	sld [smem:$0x3FAA]  }
0x28: {  	s2 =	sld [smem:$0x3FAB]  }
0x29: {  	s4 =	sld [smem:$0x3FAD]  }
0x2a: {  	p0 =	seq.s32 s5, $0x0;
	s5 =	sld [smem:$0x3FAE]  }
0x2b: {  	s6 =	sld [smem:$0x3FAF]  }
0x2c: {  	s7 =	sld [smem:$0x3FB0]  }
0x2d: {  	s3 =	simm.s32 $0x108;
	s8 =	sld [smem:$0x3FB1]  }
0x2e: {  	s3 =	simm.s32 @!p0 $0x1082;
	s9 =	sld [smem:$0x3FB2]  }
0x2f: {  	lr =	sadd.s32 s0, s3;
	s0 =	sld [smem:$0x3FA9]  }
0x30: {  	s3 =	sld [smem:$0x3FAC]  }
0x31: {  	[smem:$0x3FB5] =	sst s10  }
0x32: {  	s10 =	sld [smem:$0x3FB3];
	_ =	sdelay $0x3  }
0x33: {  	p0 =	seq.s32 s10, $0x1;
	s10 =	sld [smem:$0x3FB5];
	_ =	sdelay $0x3  }
0x34: {  	[smem:$0x3FB5] =	sst s10  }
0x35: {  	s10 =	sld [smem:$0x3FB4];
	_ =	sdelay $0x3  }
0x36: {  	p1 =	seq.s32 s10, $0x1;
	s10 =	sld [smem:$0x3FB5];
	_ =	sdelay $0x3  }
0x37: {  	[smem:$0x3FB5] =	sst s10  }
0x38: {  	s10 =	sld [smem:$0x3FB6]  }
0x39: {  	_ = 	snop;
	(pc) =	sbr.ind lr, $3  }
0x3a: {  	_ = 	snop  }
0x3b: {  	_ = 	snop  }
0x3c: {  	p2 =	seq.s32 s10, $0x1;
	s10 =	sld [smem:$0x3FB5]  }
0x3d: {  	_ =	shalt  }
0x3e: {  	_ =	shalt  }
0x3f: {  	_ =	shalt  }
0x40: {  	_ =	shalt  }
0x41: {  	_ =	shalt  }
0x42: {  	_ =	shalt  }
0x43: {  	_ =	shalt  }
0x44: {  	_ =	shalt  }
0x45: {  	_ =	shalt  }
0x46: {  	_ =	shalt  }
0x47: {  	_ =	shalt  }
0x48: {  	_ =	shalt  }
0x49: {  	_ =	shalt  }
0x4a: {  	_ =	shalt  }
0x4b: {  	_ =	shalt  }
0x4c: {  	_ =	shalt  }
0x4d: {  	_ =	shalt  }
0x4e: {  	_ =	shalt  }
0x4f: {  	_ =	shalt  }
0x50: {  	_ =	shalt  }
0x51: {  	_ =	shalt  }
0x52: {  	_ =	shalt  }
0x53: {  	_ =	shalt  }
0x54: {  	_ =	shalt  }
0x55: {  	_ =	shalt  }
0x56: {  	_ =	shalt  }
0x57: {  	_ =	shalt  }
0x58: {  	_ =	shalt  }
0x59: {  	_ =	shalt  }
0x5a: {  	_ =	shalt  }
0x5b: {  	_ =	shalt  }
0x5c: {  	_ =	shalt  }
0x5d: {  	_ =	shalt  }
0x5e: {  	_ =	shalt  }
0x5f: {  	_ =	shalt  }
0x60: {  	_ =	shalt  }
0x61: {  	_ =	shalt  }
0x62: {  	_ =	shalt  }
0x63: {  	_ =	shalt  }
0x64: {  	_ =	shalt  }
0x65: {  	_ =	shalt  }
0x66: {  	_ =	shalt  }
0x67: {  	_ =	shalt  }
0x68: {  	_ =	shalt  }
0x69: {  	_ =	shalt  }
0x6a: {  	_ =	shalt  }
0x6b: {  	_ =	shalt  }
0x6c: {  	_ =	shalt  }
0x6d: {  	_ =	shalt  }
0x6e: {  	_ =	shalt  }
0x6f: {  	_ =	shalt  }
0x70: {  	_ =	shalt  }
0x71: {  	_ =	shalt  }
0x72: {  	_ =	shalt  }
0x73: {  	_ =	shalt  }
0x74: {  	_ =	shalt  }
0x75: {  	_ =	shalt  }
0x76: {  	_ =	shalt  }
0x77: {  	_ =	shalt  }
0x78: {  	_ =	shalt  }
0x79: {  	_ =	shalt  }
0x7a: {  	_ =	shalt  }
0x7b: {  	_ =	shalt  }
0x7c: {  	_ =	shalt  }
0x7d: {  	_ =	shalt  }
0x7e: {  	_ =	shalt  }
0x7f: {  	_ =	shalt  }
0x80: {  	_ =	shalt  }
0x81: {  	_ =	shalt  }
0x82: {  	_ =	shalt  }
0x83: {  	_ =	shalt  }
0x84: {  	_ =	shalt  }
0x85: {  	_ =	shalt  }
0x86: {  	_ =	shalt  }
0x87: {  	_ =	shalt  }
.Lfunc_end0:
.L_simem_size_0:
called_computation_lowered:
.L_overlay_start_0:
0x88: {  	s2 =	sld [smem:$0x3FD9]  }
0x89: {  	s3 =	sld [smem:$0x3FFE];
	_ =	sdelay $0x1  }
0x8a: {  	s1 =	srdreg.scid  }
0x8b: {  	s0 =	sand.u32 $0x1, s1  }
0x8c: {  	s17 =	sshll.u32 s0, $0xA;
	s2 =	sadd.s32 s3, s2  }
0x8d: {  	s2 =	sadd.s32 s2, s17  }
0x8e: {  	[smem:$0x3FC1] =	sst s2  }
0x8f: {  	_ = 	snop  }
0x90: {  	s2 =	sld [smem:$0x3FC9]  }
0x91: {  	s18 =	sld [smem:$0x3FD0];
	(tm) =	ssettm $0x1  }
0x92: {  	s4 =	sld [smem:$0x3FFB];
	_ =	sdelay $0x3  }
0x93: {  	_ =	strace s4  }
0x94: {  	s4 =	sld [smem:$0x3FFC];
	_ =	sdelay $0x3  }
0x95: {  	_ =	strace s4  }
0x96: {  	s4 =	sld [smem:$0x3FFD];
	_ =	sdelay $0x3  }
0x97: {  	_ =	strace s4  }
0x98: {  	_ =	strace $0x8FFFFFFF  }
0x99: {  	s19 =	sld [smem:$0x3FDB];
	_ =	sdelay $0x1  }
0x9a: {  	s5 =	simm.s32 $_scs_section_size  }
0x9b: {  	s6 =	simm.s32 $_size__tile_overlayer_lowered;
	s7 =	simm.s32 $_tile_overlayer_lowered  }
0x9c: {  	s22 =	simm.s32 $0x1BFF;
	s21 =	sshll.u32 s7, $0x1;
	s4 =	sadd.s32 s5, s19  }
0x9d: {  	s8 =	simm.s32 $0x0;
	s20 =	sshll.u32 s6, $0x1;
	s6 =	sadd.s32 s21, s4  }
0x9e: {  	[timem:s8], [sflag:s22] =	dma.local [hbm:s6], s20  }
0x9f: {  	_ =	swait.ge [sflag:s22], s20  }
0xa0: {  	s5 =	ssub.s32 $0x0, s20;
	[sflag:s22] =	ssyncset.done $0x0  }
0xa1: {  	[sflag:s22] =	ssyncadd.s32 s5;
	_ =	sdelay $0x1  }
0xa2: {  	s23 =	simm.s32 $0x1B8B  }
0xa3: {  	_ =	swait.ge [sflag:s23], $0x1  }
0xa4: {  	[sflag:s23] =	ssyncset.done $0x0  }
0xa5: {  	s25 =	simm.s32 $0x1B8E;
	s24 =	sld [smem:$0x3FFE];
	[sflag:s23] =	ssyncadd.s32 $0xFFFFFFFF  }
0xa6: {  	s26 =	simm.s32 $execute0_lowered;
	[smem:$0x3FD2] =	sst s25  }
0xa7: {  	s6 =	sshll.u32 s26, $0x1;
	_ =	strace $0x80000046;
	[dreg:$0x1] =	wrdreg $0xFFFFFFFF  }
0xa8: {  	s28 =	simm.s32 $_size_execute0_lowered;
	s4 =	sadd.s32 s4, s6;
	[dreg:$0x0] =	wrdreg $0x0  }
0xa9: {  	s6 =	sshll.u32 s28, $0x1;
	[dreg:$0x2] =	wrdreg s4  }
0xaa: {  	[dreg:$0x3] =	wrdreg s6  }
0xab: {  	[dreg:$0x4] =	wrdreg $0xC0  }
0xac: {  	_ =	task [dreg:s8], $0x5FFFF  }
0xad: {  	[dreg:$0x1] =	wrdreg $0xFFFFFFFF  }
0xae: {  	[dreg:$0x0] =	wrdreg $0x60  }
0xaf: {  	[dreg:$0x2] =	wrdreg s2  }
0xb0: {  	[dreg:$0x3] =	wrdreg s18  }
0xb1: {  	[dreg:$0x4] =	wrdreg s24  }
0xb2: {  	[dreg:$0x5] =	wrdreg $0x9  }
0xb3: {  	_ =	task.clear_ibuf [dreg:s8], $0x6FFFF;
	_ =	strace $0x90000046  }
0xb4: {  	s29 =	simm.s32 $0x9;
	_ =	strace $0x8000004D  }
0xb5: {  	_ =	swait.ge [sflag:s29], $0x1  }
0xb6: {  	[sflag:s29] =	ssyncadd.s32 $0xFFFFFFFF  }
0xb7: {  	_ =	strace $0x9000004D  }
0xb8: {  	_ =	sfence  }
0xb9: {  	s30 =	sld [smem:$0x0];
	_ =	sdelay $0x2  }
0xba: {  	s31 =	sshll.u32 s1, $0xD;
	s1 =	sshrl.u32 s1, $0x2  }
0xbb: {  	s3 =	sand.u32 $0x4000, s31;
	s1 =	sadd.s32 s1, s30  }
0xbc: {  	s0 =	sor.u32 s3, s0;
	s1 =	sshll.u32 s1, $0x11  }
0xbd: {  	s0 =	sor.u32 s1, s0  }
0xbe: {  	s0 =	sadd.s32 $0x8F2B, s0  }
0xbf: {  	[sflag:s0] =	ssyncadd.remote.s32 $0x1  }
0xc0: {  	_ =	sfence.sel $0xFFFF  }
0xc1: {  	[dreg:$0x0] =	wrdreg $0xFFFFFFFF;
	(pc) =	sbr.abs _section_cstart, $3  }
0xc2: {  	[dreg:$0x1] =	wrdreg $0xFFFFFFFF  }
0xc3: {  	_ =	task.clear_ibuf [dreg:s8], $0x2FFFF;
	_ =	strace $0x9FFFFFFF  }
0xc4: {  	(tm) =	ssettm $0x7FFFFFFF  }
0xc5: {  	_ =	shalt  }
tec
execute0_lowered:
.L_overlay_start_1:
0x0: {  	(tag) =	ssettag $0x1  }
0x1: {  	s1 =	rddreg [dreg:$0x0]  }
0x2: {  	s6 =	rddreg [dreg:$0x1]  }
0x3: {  	s5 =	rddreg [dreg:$0x2]  }
0x4: {  	s0 =	rddreg [dreg:$0x3];
	s3 =	simm.s32 $0x0;
	s4 =	srdreg.scid  }
0x5: {  	s2 =	stileid.u32;
	s12 =	simm.s32 $0x5;
	s13 =	simm.s32 $0x0  }
0x6: {  	[smem:$0x7FF] =	sst s3;
	s7 =	sand.u32 $0x1, s4;
	s4 =	smul.u32 $0x18000, s2  }
0x7: {  	s5 =	sadd.s32 $0x1400, s5;
	s10 =	sshll.u32 s2, $0x4;
	_ =	strace $0x80000047  }
0x8: {  	s8 =	ssub.s32 $0x2, s7;
	s7 =	sshll.u32 s7, $0x8;
	s10 =	sadd.s32 s6, s10  }
0x9: {  	v2 =	vlaneseq.u32;
	s9 =	sshrl.u32 s8, $0x1;
	s11 =	sshrl.u32 s4, $0x3;
	s7 =	sadd.s32 s7, s10  }
0xa: {  	vm0 =	vmmov $0xffff;
	vm1 =	vmmov $0xff;
	v1 =	vshrl.u32 v2, $0x3;
	s10 =	simm.s32 $0x1800;
	s8 =	ssub.s32 s8, s9;
	s6 =	sadd.s32 s1, s11  }
0xb: {  	v0 =	vand.u32 $0x7, v2;
	v2 =	vor.u32 $0x8, v2;
	v1 =	vmul.u32 $0x8, v1;
	s9 =	simm.s32 $0xC00;
	s11 =	simm.s32 $0x18000;
	s8 =	smax.u32 s8, $0x1  }
.LBB2_1:
0xc: {  	_ =	strace $0x80000048;
	p0 =	por $0x0, $0x0  }
0xd: {  	[tilespmem:s3], [sflag:$0x1] =	stream.strided.gather [hbm4b:s6+s9], $0xC000, s10, s9, $0x200038;
	[tilespmem:$0x18100] =	vst v63  }
0xe: {  	p2 =	por $0x1, $0x1;
	s14 =	simm.s32 $0x0;
	s15 =	simm.s32 $0x0  }
0xf: {  	[tilespmem:s11], [sflag:$0x3] =	stream.linear.gather [hbm4b:s7+s3], $0x80, $0x200038;
	[tilespmem:$0x18100] =	vst v63  }
0x10: {  	s16 =	simm.s32 $0x0;
	s17 =	simm.s32 $0x1;
	_ =	strace $0x90000048  }
.LBB2_2:
0x11: {  	s18 =	smov.u32 s14;
	s14 =	sadd.s32 $0x1, s14  }
0x12: {  	p1 =	seq.s32 s14, $0x2  }
0x13: {  	s14 =	simm.s32 @p1 $0x0  }
0x14: {  	p1 =	por p2, p2;
	p6 =	sne.s32 s18, s14  }
0x15: {  	p3 =	por !p1, !p6  }
0x16: {  	p3 =	por !p3, !p3  }
0x17: {  	s19 =	smul.u32 @p3 $0xC00, s14  }
0x18: {  	s20 =	sand.u32 @p3 $0x1, s17  }
0x19: {  	_ =	strace @p3 $0x80000049;
	s21 =	smul.u32 @p3 $0x30000, s20;
	s19 =	sadd.s32 @p3 s4, s19  }
0x1a: {  	s22 =	simm.s32 @p3 $0xC00;
	s23 =	simm.s32 @p3 $0x1800;
	s19 =	sshrl.u32 @p3 s19, $0x3  }
0x1b: {  	s20 =	sadd.s32 @p3 $0x1, s20;
	s21 =	sshrl.u32 @p3 s21, $0x2;
	s19 =	sadd.s32 @p3 s1, s19  }
0x1c: {  	[tilespmem:s21], [sflag:s20] =	stream.strided.gather @p3 [hbm4b:s19+s22], $0xC000, s23, s22, $0x200038;
	[tilespmem:$0x18100] =	vst v63  }
0x1d: {  	s31 =	sand.u32 $0x1, s16;
	_ =	strace @p3 $0x90000049  }
0x1e: {  	s21 =	sadd.s32 $0x1, s31;
	_ =	strace $0x8000004A  }
0x1f: {  	_ =	swait.ge [sflag:s21], $0xC000  }
0x20: {  	[sflag:s21] =	ssyncset.done $0x0  }
0x21: {  	[sflag:s21] =	ssyncadd.s32 $0xFFFF4000  }
0x22: {  	s20 =	sand.u32 @p1 $0x1, s15;
	_ =	strace $0x9000004A  }
0x23: {  	s20 =	sadd.s32 @p1 $0x3, s20;
	_ =	strace @p1 $0x8000004B  }
0x24: {  	_ =	swait.ge @p1 [sflag:s20], $0x80  }
0x25: {  	[sflag:s20] =	ssyncset.done @p1 $0x0  }
0x26: {  	[sflag:s20] =	ssyncadd.s32 @p1 $0xFFFFFF80  }
0x27: {  	s22 =	sshll.u32 s15, $0x7;
	_ =	strace @p1 $0x9000004B  }
0x28: {  	s20 =	sand.u32 $0x80, s22;
	_ =	strace $0x8000004C  }
0x29: {  	v3 =	vld [tilespmem:s20+$0x18000];
	_ =	sdelay $0x4  }
0x2a: {  	v4 =	vshrl.u32 v3, $0x3  }
0x2b: {  	v4 =	vmul.u32 $0x30, v4  }
0x2c: {  	v3 =	vand.u32 $0x7, v3  }
0x2d: {  	v3 =	vor.u32 v3, v4  }
0x2e: {  	v4 =	vperm.xlane v3, v0;
	_ =	sdelay $0x1  }
0x2f: {  	v4 =	vadd.s32 v1, v4  }
0x30: {  	s23 =	smul.u32 $0xC00, s18  }
0x31: {  	v3 =	vperm.xlane v3, v2  }
0x32: {  	p4 =	seq.s32 s31, $0x1;
	s18 =	simm.s32 $0xC000;
	s24 =	sshrl.u32 s23, $0x3  }
0x33: {  	s18 =	simm.s32 @!p4 $0x0;
	s19 =	sadd.s32 s5, s24;
	v3 =	vadd.s32 v1, v3  }
0x34: {  	[hbm4b:s19+s3] =	stream.indirect_vreg.scatter [tilespmem:s18], [sflag:$0x5], $0x80, v4, vm0, $0x2000b8;
	[tilespmem:$0x18100] =	vst v63  }
0x35: {  	s25 =	sor.u32 $0x800, s18;
	s21 =	sadd.s32 $0x100, s19  }
0x36: {  	[hbm4b:s21+s3] =	stream.indirect_vreg.scatter [tilespmem:s25], [sflag:$0x5], $0x80, v4, vm1, $0x2000b8;
	[tilespmem:$0x18100] =	vst v63  }
0x37: {  	s26 =	sor.u32 $0xC00, s18  }
0x38: {  	[hbm4b:s19+s3] =	stream.indirect_vreg.scatter [tilespmem:s26], [sflag:$0x5], $0x80, v3, vm0, $0x2000b8;
	[tilespmem:$0x18100] =	vst v63  }
0x39: {  	s28 =	sor.u32 $0x1400, s18  }
0x3a: {  	[hbm4b:s21+s3] =	stream.indirect_vreg.scatter [tilespmem:s28], [sflag:$0x5], $0x80, v3, vm1, $0x2000b8;
	[tilespmem:$0x18100] =	vst v63  }
0x3b: {  	v3 =	vld [tilespmem:s20+$0x18010];
	_ =	sdelay $0x4  }
0x3c: {  	v57 =	vshrl.u32 v3, $0x3  }
0x3d: {  	v4 =	vmul.u32 $0x30, v57  }
0x3e: {  	v3 =	vand.u32 $0x7, v3  }
0x3f: {  	v3 =	vor.u32 v3, v4  }
0x40: {  	v4 =	vperm.xlane v3, v0;
	_ =	sdelay $0x1  }
0x41: {  	v4 =	vadd.s32 v1, v4;
	_ =	sdelay $0x1  }
0x42: {  	v3 =	vperm.xlane v3, v2;
	_ =	sdelay $0x1  }
0x43: {  	s29 =	sor.u32 $0x1800, s18;
	v3 =	vadd.s32 v1, v3  }
0x44: {  	[hbm4b:s19+s3] =	stream.indirect_vreg.scatter [tilespmem:s29], [sflag:$0x5], $0x80, v4, vm0, $0x2000b8;
	[tilespmem:$0x18100] =	vst v63  }
0x45: {  	s30 =	sor.u32 $0x2000, s18  }
0x46: {  	[hbm4b:s21+s3] =	stream.indirect_vreg.scatter [tilespmem:s30], [sflag:$0x5], $0x80, v4, vm1, $0x2000b8;
	[tilespmem:$0x18100] =	vst v63  }
0x47: {  	s31 =	sor.u32 $0x2400, s18  }
0x48: {  	[hbm4b:s19+s3] =	stream.indirect_vreg.scatter [tilespmem:s31], [sflag:$0x5], $0x80, v3, vm0, $0x2000b8;
	[tilespmem:$0x18100] =	vst v63  }
0x49: {  	s23 =	sor.u32 $0x2C00, s18  }
0x4a: {  	[hbm4b:s21+s3] =	stream.indirect_vreg.scatter [tilespmem:s23], [sflag:$0x5], $0x80, v3, vm1, $0x2000b8;
	[tilespmem:$0x18100] =	vst v63  }
0x4b: {  	v3 =	vld [tilespmem:s20+$0x18020];
	_ =	sdelay $0x4  }
0x4c: {  	v58 =	vshrl.u32 v3, $0x3  }
0x4d: {  	v4 =	vmul.u32 $0x30, v58  }
0x4e: {  	v3 =	vand.u32 $0x7, v3  }
0x4f: {  	v3 =	vor.u32 v3, v4  }
0x50: {  	v4 =	vperm.xlane v3, v0;
	_ =	sdelay $0x1  }
0x51: {  	v4 =	vadd.s32 v1, v4;
	_ =	sdelay $0x1  }
0x52: {  	v3 =	vperm.xlane v3, v2;
	_ =	sdelay $0x1  }
0x53: {  	s24 =	sor.u32 $0x3000, s18;
	v3 =	vadd.s32 v1, v3  }
0x54: {  	[hbm4b:s19+s3] =	stream.indirect_vreg.scatter [tilespmem:s24], [sflag:$0x5], $0x80, v4, vm0, $0x2000b8;
	[tilespmem:$0x18100] =	vst v63  }
0x55: {  	s25 =	sor.u32 $0x3800, s18  }
0x56: {  	[hbm4b:s21+s3] =	stream.indirect_vreg.scatter [tilespmem:s25], [sflag:$0x5], $0x80, v4, vm1, $0x2000b8;
	[tilespmem:$0x18100] =	vst v63  }
0x57: {  	s26 =	sor.u32 $0x3C00, s18  }
0x58: {  	[hbm4b:s19+s3] =	stream.indirect_vreg.scatter [tilespmem:s26], [sflag:$0x5], $0x80, v3, vm0, $0x2000b8;
	[tilespmem:$0x18100] =	vst v63  }
0x59: {  	s28 =	sadd.s32 $0x4400, s18  }
0x5a: {  	[hbm4b:s21+s3] =	stream.indirect_vreg.scatter [tilespmem:s28], [sflag:$0x5], $0x80, v3, vm1, $0x2000b8;
	[tilespmem:$0x18100] =	vst v63  }
0x5b: {  	v3 =	vld [tilespmem:s20+$0x18030];
	_ =	sdelay $0x4  }
0x5c: {  	v59 =	vshrl.u32 v3, $0x3  }
0x5d: {  	v4 =	vmul.u32 $0x30, v59  }
0x5e: {  	v3 =	vand.u32 $0x7, v3  }
0x5f: {  	v3 =	vor.u32 v3, v4  }
0x60: {  	v4 =	vperm.xlane v3, v0;
	_ =	sdelay $0x1  }
0x61: {  	v4 =	vadd.s32 v1, v4;
	_ =	sdelay $0x1  }
0x62: {  	v3 =	vperm.xlane v3, v2;
	_ =	sdelay $0x1  }
0x63: {  	s29 =	sadd.s32 $0x4800, s18;
	v3 =	vadd.s32 v1, v3  }
0x64: {  	[hbm4b:s19+s3] =	stream.indirect_vreg.scatter [tilespmem:s29], [sflag:$0x5], $0x80, v4, vm0, $0x2000b8;
	[tilespmem:$0x18100] =	vst v63  }
0x65: {  	s30 =	sadd.s32 $0x5000, s18  }
0x66: {  	[hbm4b:s21+s3] =	stream.indirect_vreg.scatter [tilespmem:s30], [sflag:$0x5], $0x80, v4, vm1, $0x2000b8;
	[tilespmem:$0x18100] =	vst v63  }
0x67: {  	s31 =	sadd.s32 $0x5400, s18  }
0x68: {  	[hbm4b:s19+s3] =	stream.indirect_vreg.scatter [tilespmem:s31], [sflag:$0x5], $0x80, v3, vm0, $0x2000b8;
	[tilespmem:$0x18100] =	vst v63  }
0x69: {  	s23 =	sadd.s32 $0x5C00, s18  }
0x6a: {  	[hbm4b:s21+s3] =	stream.indirect_vreg.scatter [tilespmem:s23], [sflag:$0x5], $0x80, v3, vm1, $0x2000b8;
	[tilespmem:$0x18100] =	vst v63  }
0x6b: {  	v3 =	vld [tilespmem:s20+$0x18040];
	_ =	sdelay $0x4  }
0x6c: {  	v60 =	vshrl.u32 v3, $0x3  }
0x6d: {  	v4 =	vmul.u32 $0x30, v60  }
0x6e: {  	v3 =	vand.u32 $0x7, v3  }
0x6f: {  	v3 =	vor.u32 v3, v4  }
0x70: {  	v4 =	vperm.xlane v3, v0;
	_ =	sdelay $0x1  }
0x71: {  	v4 =	vadd.s32 v1, v4;
	_ =	sdelay $0x1  }
0x72: {  	v3 =	vperm.xlane v3, v2;
	_ =	sdelay $0x1  }
0x73: {  	s24 =	sadd.s32 $0x6000, s18;
	v3 =	vadd.s32 v1, v3  }
0x74: {  	[hbm4b:s19+s3] =	stream.indirect_vreg.scatter [tilespmem:s24], [sflag:$0x5], $0x80, v4, vm0, $0x2000b8;
	[tilespmem:$0x18100] =	vst v63  }
0x75: {  	s25 =	sadd.s32 $0x6800, s18  }
0x76: {  	[hbm4b:s21+s3] =	stream.indirect_vreg.scatter [tilespmem:s25], [sflag:$0x5], $0x80, v4, vm1, $0x2000b8;
	[tilespmem:$0x18100] =	vst v63  }
0x77: {  	s26 =	sadd.s32 $0x6C00, s18  }
0x78: {  	[hbm4b:s19+s3] =	stream.indirect_vreg.scatter [tilespmem:s26], [sflag:$0x5], $0x80, v3, vm0, $0x2000b8;
	[tilespmem:$0x18100] =	vst v63  }
0x79: {  	s28 =	sadd.s32 $0x7400, s18  }
0x7a: {  	[hbm4b:s21+s3] =	stream.indirect_vreg.scatter [tilespmem:s28], [sflag:$0x5], $0x80, v3, vm1, $0x2000b8;
	[tilespmem:$0x18100] =	vst v63  }
0x7b: {  	v3 =	vld [tilespmem:s20+$0x18050];
	_ =	sdelay $0x4  }
0x7c: {  	v61 =	vshrl.u32 v3, $0x3  }
0x7d: {  	v4 =	vmul.u32 $0x30, v61  }
0x7e: {  	v3 =	vand.u32 $0x7, v3  }
0x7f: {  	v3 =	vor.u32 v3, v4  }
0x80: {  	v4 =	vperm.xlane v3, v0;
	_ =	sdelay $0x1  }
0x81: {  	v4 =	vadd.s32 v1, v4;
	_ =	sdelay $0x1  }
0x82: {  	v3 =	vperm.xlane v3, v2;
	_ =	sdelay $0x1  }
0x83: {  	s29 =	sadd.s32 $0x7800, s18;
	v3 =	vadd.s32 v1, v3  }
0x84: {  	[hbm4b:s19+s3] =	stream.indirect_vreg.scatter [tilespmem:s29], [sflag:$0x5], $0x80, v4, vm0, $0x2000b8;
	[tilespmem:$0x18100] =	vst v63  }
0x85: {  	s30 =	sadd.s32 $0x8000, s18  }
0x86: {  	[hbm4b:s21+s3] =	stream.indirect_vreg.scatter [tilespmem:s30], [sflag:$0x5], $0x80, v4, vm1, $0x2000b8;
	[tilespmem:$0x18100] =	vst v63  }
0x87: {  	s31 =	sadd.s32 $0x8400, s18  }
0x88: {  	[hbm4b:s19+s3] =	stream.indirect_vreg.scatter [tilespmem:s31], [sflag:$0x5], $0x80, v3, vm0, $0x2000b8;
	[tilespmem:$0x18100] =	vst v63  }
0x89: {  	s23 =	sadd.s32 $0x8C00, s18  }
0x8a: {  	[hbm4b:s21+s3] =	stream.indirect_vreg.scatter [tilespmem:s23], [sflag:$0x5], $0x80, v3, vm1, $0x2000b8;
	[tilespmem:$0x18100] =	vst v63  }
0x8b: {  	v3 =	vld [tilespmem:s20+$0x18060];
	_ =	sdelay $0x4  }
0x8c: {  	v62 =	vshrl.u32 v3, $0x3  }
0x8d: {  	v4 =	vmul.u32 $0x30, v62  }
0x8e: {  	v3 =	vand.u32 $0x7, v3  }
0x8f: {  	v3 =	vor.u32 v3, v4  }
0x90: {  	v4 =	vperm.xlane v3, v0;
	_ =	sdelay $0x1  }
0x91: {  	v4 =	vadd.s32 v1, v4;
	_ =	sdelay $0x1  }
0x92: {  	v3 =	vperm.xlane v3, v2;
	_ =	sdelay $0x1  }
0x93: {  	s24 =	sadd.s32 $0x9000, s18;
	v3 =	vadd.s32 v1, v3  }
0x94: {  	[hbm4b:s19+s3] =	stream.indirect_vreg.scatter [tilespmem:s24], [sflag:$0x5], $0x80, v4, vm0, $0x2000b8;
	[tilespmem:$0x18100] =	vst v63  }
0x95: {  	s25 =	sadd.s32 $0x9800, s18  }
0x96: {  	[hbm4b:s21+s3] =	stream.indirect_vreg.scatter [tilespmem:s25], [sflag:$0x5], $0x80, v4, vm1, $0x2000b8;
	[tilespmem:$0x18100] =	vst v63  }
0x97: {  	s26 =	sadd.s32 $0x9C00, s18  }
0x98: {  	[hbm4b:s19+s3] =	stream.indirect_vreg.scatter [tilespmem:s26], [sflag:$0x5], $0x80, v3, vm0, $0x2000b8;
	[tilespmem:$0x18100] =	vst v63  }
0x99: {  	s28 =	sadd.s32 $0xA400, s18  }
0x9a: {  	[hbm4b:s21+s3] =	stream.indirect_vreg.scatter [tilespmem:s28], [sflag:$0x5], $0x80, v3, vm1, $0x2000b8;
	[tilespmem:$0x18100] =	vst v63  }
0x9b: {  	v3 =	vld [tilespmem:s20+$0x18070];
	_ =	sdelay $0x4  }
0x9c: {  	v63 =	vshrl.u32 v3, $0x3  }
0x9d: {  	v4 =	vmul.u32 $0x30, v63  }
0x9e: {  	v3 =	vand.u32 $0x7, v3  }
0x9f: {  	v3 =	vor.u32 v3, v4  }
0xa0: {  	v4 =	vperm.xlane v3, v0;
	_ =	sdelay $0x1  }
0xa1: {  	v4 =	vadd.s32 v1, v4;
	_ =	sdelay $0x1  }
0xa2: {  	v3 =	vperm.xlane v3, v2;
	_ =	sdelay $0x1  }
0xa3: {  	s29 =	sadd.s32 $0xA800, s18;
	v3 =	vadd.s32 v1, v3  }
0xa4: {  	[hbm4b:s19+s3] =	stream.indirect_vreg.scatter [tilespmem:s29], [sflag:$0x5], $0x80, v4, vm0, $0x2000b8;
	[tilespmem:$0x18100] =	vst v63  }
0xa5: {  	s30 =	sadd.s32 $0xB000, s18  }
0xa6: {  	[hbm4b:s21+s3] =	stream.indirect_vreg.scatter [tilespmem:s30], [sflag:$0x5], $0x80, v4, vm1, $0x2000b8;
	[tilespmem:$0x18100] =	vst v63  }
0xa7: {  	s31 =	sadd.s32 $0xB400, s18  }
0xa8: {  	[hbm4b:s19+s3] =	stream.indirect_vreg.scatter [tilespmem:s31], [sflag:$0x5], $0x80, v3, vm0, $0x2000b8;
	[tilespmem:$0x18100] =	vst v63  }
0xa9: {  	p2 =	por p0, p6;
	s18 =	sadd.s32 $0xBC00, s18;
	s20 =	simm.s32 $0x1  }
0xaa: {  	[hbm4b:s21+s3] =	stream.indirect_vreg.scatter [tilespmem:s18], [sflag:$0x5], $0x80, v3, vm1, $0x2000b8;
	[tilespmem:$0x18100] =	vst v63  }
.Ltmp0:
0xab: {  	s20 =	simm.s32 @!p3 $0x0;
	s19 =	simm.s32 $0x1;
	(pc) =	sbr.rel @p1 .LBB2_2-.Ltmp0, $4  }
0xac: {  	s17 =	sadd.s32 s20, s17;
	s19 =	simm.s32 @!p0 $0x0;
	_ =	swait.ge [sflag:s12], $0xC000  }
0xad: {  	p0 =	por $0x1, $0x1;
	s18 =	simm.s32 $0x1;
	[sflag:s12] =	ssyncset.done $0x0  }
0xae: {  	s15 =	sadd.s32 s19, s15;
	s18 =	simm.s32 @!p2 $0x0;
	[sflag:s12] =	ssyncadd.s32 $0xFFFF4000  }
0xaf: {  	p2 =	por $0x0, $0x0;
	s16 =	sadd.s32 s18, s16;
	_ =	strace $0x9000004C  }
0xb0: {  	s13 =	sadd.s32 $0x1, s13  }
0xb1: {  	p0 =	sne.s32 s13, s8  }
.Ltmp1:
0xb2: {  	_ = 	snop;
	(pc) =	sbr.rel @p0 .LBB2_1-.Ltmp1, $1  }
0xb3: {  	_ =	sdelay $0x3  }
0xb4: {  	_ =	sfence.sel $0x180000  }
0xb5: {  	[bflag:$0x0] =	sbarrier.arrive $0xFFFF  }
0xb6: {  	p0 =	sne.s32 s2, $0x0;
	_ =	strace $0x90000047  }
0xb7: {  	s0 =	sadd.s32 @!p0 $0x100000, s0;
	[bflag:$0x2] =	sbarrier.arrive $0xFFFF  }
0xb8: {  	[sflag:s0] =	ssyncadd.tile.s32 @!p0 $0x1;
	_ =	shalt  }
.Lfunc_end2:
_tile_overlayer_lowered:
.L_overlay_start_2:
0xb9: {  	(tag) =	ssettag $0x2  }
0xba: {  	s0 =	rddreg [dreg:$0x0];
	s2 =	stileid.u32  }
0xbb: {  	s1 =	rddreg [dreg:$0x1];
	p0 =	sne.s32 s2, $0x0  }
0xbc: {  	s3 =	rddreg [dreg:$0x2];
	[bflag:$0x3] =	sbarrier.arrive $0xFFFF;
	s2 =	simm.s32 @!p0 $0x1C01  }
0xbd: {  	[timem:s3], [sflag:s2] =	dma.local @!p0 [hbm:s0], s1  }
0xbe: {  	s0 =	simm.s32 @!p0 $0x1  }
0xbf: {  	_ =	swait.ge @!p0 [sflag:s0], s1  }
0xc0: {  	s1 =	ssub.s32 @!p0 $0x0, s1;
	[sflag:s0] =	ssyncset.done @!p0 $0x0  }
0xc1: {  	[sflag:s0] =	ssyncadd.s32 @!p0 s1  }
0xc2: {  	[bflag:$0x3] =	sbarrier.arrive $0xFFFF  }
0xc3: {  	_ =	shalt  }

</sc_bundles>
